<compile_context>
chip_gen: v7x
topology: tpu7x:2x2x1
jax: 0.10.2.dev20260603
libtpu: 0.0.44.dev20260713+nightly
codegen_flags: <defaults>
</compile_context>

<pallas_src>
import functools

import jax
import jax.numpy as jnp
from jax import lax
from jax.experimental import pallas as pl
from jax.experimental.pallas import tpu as pltpu
from jax.experimental.pallas import tpu_sc as plsc

N = 10000
D = 128
E = 320000
NC, NS = 2, 16
NW = NC * NS
CH = 128
EPW = 10240
KCH = EPW // CH
E_PAD = NW * EPW
NP = 10240
RPT = NP // NS
BR = 400

_mesh = plsc.VectorSubcoreMesh(
    core_axis_name="c", subcore_axis_name="s", num_cores=NC, num_subcores=NS)


@functools.partial(
    pl.kernel,
    out_type=jax.ShapeDtypeStruct((NW * NP,), jnp.float32),
    mesh=_mesh,
    compiler_params=pltpu.CompilerParams(needs_layout_passes=False),
    scratch_types=dict(
        hist=pltpu.VMEM((NP,), jnp.float32),
        idx=pltpu.VMEM((KCH, CH), jnp.int32),
    ),
)
def _sc_degree(dst_hbm, z1_hbm, out_hbm, hist, idx):
    c = lax.axis_index("c")
    s = lax.axis_index("s")
    wid = s * NC + c
    pltpu.sync_copy(z1_hbm, hist)
    pltpu.sync_copy(dst_hbm.at[pl.ds(wid * KCH, KCH)], idx)
    onev = jnp.full((16,), 1.0, jnp.float32)

    @pl.loop(0, KCH)
    def _(j):
        for k in range(CH // 16):
            dv = idx[j, pl.ds(k * 16, 16)]
            plsc.addupdate_scatter(hist, [dv], onev)

    pltpu.sync_copy(hist, out_hbm.at[pl.ds(wid * NP, NP)])


@functools.partial(
    pl.kernel,
    out_type=jax.ShapeDtypeStruct((NC * NP, D), jnp.float32),
    mesh=_mesh,
    scratch_types=dict(
        acc=pltpu.VMEM_SHARED((NP, D), jnp.float32),
        sidx=pltpu.VMEM((KCH, CH), jnp.int32),
        didx=pltpu.VMEM((KCH, CH), jnp.int32),
        rows=pltpu.VMEM((CH, D), jnp.float32),
        sem=pltpu.SemaphoreType.DMA,
    ),
)
def _sc_scatter(g_hbm, src_hbm, dst_hbm, z_hbm, out_hbm,
                acc, sidx, didx, rows, sem):
    c = lax.axis_index("c")
    s = lax.axis_index("s")
    wid = s * NC + c
    t0 = s * RPT
    pltpu.sync_copy(z_hbm.at[pl.ds(t0, RPT)], acc.at[pl.ds(t0, RPT)])
    pltpu.sync_copy(src_hbm.at[pl.ds(wid * KCH, KCH)], sidx)
    pltpu.sync_copy(dst_hbm.at[pl.ds(wid * KCH, KCH)], didx)
    plsc.subcore_barrier()

    @pl.loop(0, KCH)
    def _(j):
        pltpu.async_copy(g_hbm.at[sidx.at[j]], rows, sem).wait()
        pltpu.sync_copy(rows, acc.at[didx.at[j]], add=True)

    plsc.subcore_barrier()
    pltpu.sync_copy(acc.at[pl.ds(t0, RPT)], out_hbm.at[pl.ds(c * NP + t0, RPT)])


def _tc_dis_body(degp_ref, o_ref):
    deg = jnp.sum(degp_ref[...], axis=0) + 1.0
    o_ref[...] = lax.rsqrt(deg)


_tc_dis = pl.pallas_call(
    _tc_dis_body, grid=(1,),
    in_specs=[pl.BlockSpec((NW, NP // 128, 128), lambda i: (0, 0, 0))],
    out_specs=pl.BlockSpec((NP // 128, 128), lambda i: (0, 0)),
    out_shape=jax.ShapeDtypeStruct((NP // 128, 128), jnp.float32))


def _tc1_body(dis_ref, x_ref, w_ref, o_ref):
    o_ref[...] = jnp.dot(
        x_ref[...], w_ref[...], preferred_element_type=jnp.float32,
        precision=lax.Precision.HIGHEST) * dis_ref[...]


def _tc2_body(dis_ref, p_ref, g_ref, b_ref, w_ref, o_ref):
    dis = dis_ref[...]
    h = jnp.maximum((p_ref[0] + p_ref[1] + g_ref[...]) * dis + b_ref[...], 0.0)
    o_ref[...] = jnp.dot(
        h, w_ref[...], preferred_element_type=jnp.float32,
        precision=lax.Precision.HIGHEST) * dis


def _tc3_body(dis_ref, p_ref, g_ref, b_ref, o_ref):
    o_ref[...] = ((p_ref[0] + p_ref[1] + g_ref[...]) * dis_ref[...]
                  + b_ref[...])


_dis_spec = pl.BlockSpec((BR, 1), lambda i: (i, 0))
_row_spec = pl.BlockSpec((BR, D), lambda i: (i, 0))
_p_spec = pl.BlockSpec((2, BR, D), lambda i: (0, i, 0))
_w_spec = pl.BlockSpec((D, D), lambda i: (0, 0))
_b_spec = pl.BlockSpec((1, D), lambda i: (0, 0))
_row_out = jax.ShapeDtypeStruct((N, D), jnp.float32)

_tc1 = pl.pallas_call(
    _tc1_body, grid=(N // BR,),
    in_specs=[_dis_spec, _row_spec, _w_spec],
    out_specs=_row_spec, out_shape=_row_out)

_tc2 = pl.pallas_call(
    _tc2_body, grid=(N // BR,),
    in_specs=[_dis_spec, _p_spec, _row_spec, _b_spec, _w_spec],
    out_specs=_row_spec, out_shape=_row_out)

_tc3 = pl.pallas_call(
    _tc3_body, grid=(N // BR,),
    in_specs=[_dis_spec, _p_spec, _row_spec, _b_spec],
    out_specs=_row_spec, out_shape=_row_out)


def kernel(x, edge_index, W1, b1, W2, b2):
    ei = edge_index.astype(jnp.int32)
    pad = E_PAD - E
    src = jnp.concatenate([ei[0], jnp.zeros((pad,), jnp.int32)])
    dst = jnp.concatenate([ei[1], jnp.full((pad,), N, jnp.int32)])
    src = src.reshape(E_PAD // CH, CH)
    dst = dst.reshape(E_PAD // CH, CH)

    z1 = jnp.zeros((NP,), jnp.float32)
    zD = jnp.zeros((NP, D), jnp.float32)
    b1r = b1.reshape(1, D)
    b2r = b2.reshape(1, D)

    degp = _sc_degree(dst, z1).reshape(NW, NP // 128, 128)
    dis = _tc_dis(degp).reshape(NP)[:N].reshape(N, 1)
    g1 = _tc1(dis, x, W1)
    p1 = _sc_scatter(g1, src, dst, zD).reshape(NC, NP, D)
    g2 = _tc2(dis, p1, g1, b1r, W2)
    p2 = _sc_scatter(g2, src, dst, zD).reshape(NC, NP, D)
    out = _tc3(dis, p2, g2, b2r)
    return out

# --- scband reference (transcript-rebuilt; emitter-appended) ---
"""Pipeline reference for scband-simple-gcn-4200478016008 (READ-ONLY COPY).

The authoritative reference and input builder live on the scoring server;
editing this copy changes nothing except your own understanding.
"""

import jax, jax.numpy as jnp
import numpy as np

N_NODES = 10000
D = 128


def gcn_conv(x, edge_index, W, b, n_nodes):
    # PyG GCNConv semantics: add self-loops, symmetric normalization, linear, sum-aggregate, bias
    src = edge_index[0]
    dst = edge_index[1]
    loop = jnp.arange(n_nodes, dtype=edge_index.dtype)
    src = jnp.concatenate([src, loop])
    dst = jnp.concatenate([dst, loop])
    # linear transform first (as PyG does lin before propagate)
    h = x @ W
    # degree computed on dst (col) with unit edge weights
    ones = jnp.ones(src.shape[0], dtype=x.dtype)
    deg = jax.ops.segment_sum(ones, dst, num_segments=n_nodes)
    deg_inv_sqrt = jnp.where(deg > 0, 1.0 / jnp.sqrt(deg), 0.0)
    norm = deg_inv_sqrt[src] * deg_inv_sqrt[dst]
    msgs = h[src] * norm[:, None]
    out = jax.ops.segment_sum(msgs, dst, num_segments=n_nodes)
    return out + b


def setup_inputs(seed: int = 0) -> dict:
    key = jax.random.key(seed)
    k_x, k_e, k_w1, k_b1, k_w2, k_b2 = jax.random.split(key, 6)
    x = jax.random.normal(k_x, (N_NODES, D), dtype=jnp.float32)
    edge_index = jax.random.randint(k_e, (2, 320000), 0, N_NODES, dtype=jnp.int64)
    s = 1.0 / np.sqrt(D)
    W1 = jax.random.uniform(k_w1, (D, D), minval=-s, maxval=s, dtype=jnp.float32)
    b1 = jax.random.uniform(k_b1, (D,), minval=-s, maxval=s, dtype=jnp.float32)
    W2 = jax.random.uniform(k_w2, (D, D), minval=-s, maxval=s, dtype=jnp.float32)
    b2 = jax.random.uniform(k_b2, (D,), minval=-s, maxval=s, dtype=jnp.float32)
    return {"x": x, "edge_index": edge_index, "W1": W1, "b1": b1, "W2": W2, "b2": b2}


def reference(x, edge_index, W1, b1, W2, b2):
    h = gcn_conv(x, edge_index, W1, b1, N_NODES)
    h = jax.nn.relu(h)
    out = gcn_conv(h, edge_index, W2, b2, N_NODES)
    return out

if __name__ == "__main__":
    import jax
    _d = setup_inputs()
    print(jax.jit(kernel)(*tuple(_d.values())))

</pallas_src>

<mosaic_0001>
#map = affine_map<(d0, d1) -> (0, 0)>
module attributes {stable_mosaic.version = 14 : i64} {
  func.func @_sc_scatter(%arg0: i32, %arg1: i32, %arg2: memref<10000x128xf32, #tpu.memory_space<hbm>>, %arg3: memref<2560x128xi32, #tpu.memory_space<hbm>>, %arg4: memref<2560x128xi32, #tpu.memory_space<hbm>>, %arg5: memref<10240x128xf32, #tpu.memory_space<hbm>>, %arg6: memref<20480x128xf32, #tpu.memory_space<hbm>>, %arg7: memref<10240x128xf32, #tpu.memory_space<vmem_shared>>, %arg8: memref<80x128xi32, #tpu.memory_space<vmem>>, %arg9: memref<128x128xf32, #tpu.memory_space<vmem>>, %arg10: memref<!tpu.dma_semaphore, #tpu.memory_space<semaphore_mem>>, %arg11: memref<80x128xi32, #tpu.memory_space<vmem>>) attributes {dimension_semantics = [#tpu.dimension_semantics<core_parallel>, #tpu.dimension_semantics<subcore_parallel>], iteration_bounds = array<i64: 2, 16>, scalar_prefetch = 0 : i64, scratch_operands = 5 : i64, tpu.core_type = #tpu.core_type<sc_vector_subcore>, window_params = [{transform_indices = #map}, {transform_indices = #map}, {transform_indices = #map}, {transform_indices = #map}, {transform_indices = #map}]} {
    %mul3A = arith.constant 2 : i32
    %mul3A_0 = arith.muli %arg1, %mul3A : i32
    %add3A = arith.addi %mul3A_0, %arg0 : i32
    %mul3A_1 = arith.constant 640 : i32
    %mul3A_2 = arith.muli %arg1, %mul3A_1 : i32
    "tpu.region"() ({
      %run_scoped3A = tpu.sem_alloc : memref<!tpu.dma_semaphore, #tpu.memory_space<semaphore_mem>>
      %dma_start3A = arith.constant 0 : i32
      %dma_start3A_15 = tpu.memref_slice %arg7[%mul3A_2, %dma_start3A] : memref<10240x128xf32, #tpu.memory_space<vmem_shared>> -> memref<640x128xf32, #tpu.memory_space<vmem_shared>>
      %dma_start3A_16 = arith.constant 0 : i32
      %dma_start3A_17 = tpu.memref_slice %arg5[%mul3A_2, %dma_start3A_16] : memref<10240x128xf32, #tpu.memory_space<hbm>> -> memref<640x128xf32, #tpu.memory_space<hbm>>
      tpu.enqueue_dma source(%dma_start3A_17 : memref<640x128xf32, #tpu.memory_space<hbm>>) target(%dma_start3A_15 : memref<640x128xf32, #tpu.memory_space<vmem_shared>>) target_semaphore(%run_scoped3A : memref<!tpu.dma_semaphore, #tpu.memory_space<semaphore_mem>>)
      %dma_wait3A = arith.constant 0 : i32
      %dma_wait3A_18 = tpu.memref_slice %arg7[%mul3A_2, %dma_wait3A] : memref<10240x128xf32, #tpu.memory_space<vmem_shared>> -> memref<640x128xf32, #tpu.memory_space<vmem_shared>>
      %dma_wait3A_19 = arith.constant 0 : i32
      %dma_wait3A_20 = tpu.memref_slice %arg5[%mul3A_2, %dma_wait3A_19] : memref<10240x128xf32, #tpu.memory_space<hbm>> -> memref<640x128xf32, #tpu.memory_space<hbm>>
      tpu.wait_dma2 semaphore(%run_scoped3A : memref<!tpu.dma_semaphore, #tpu.memory_space<semaphore_mem>>) src(%dma_wait3A_20 : memref<640x128xf32, #tpu.memory_space<hbm>>) dst(%dma_wait3A_18 : memref<640x128xf32, #tpu.memory_space<vmem_shared>>)
      tpu.yield
    }) : () -> ()
    %mul3A_3 = arith.constant 80 : i32
    %mul3A_4 = arith.muli %add3A, %mul3A_3 : i32
    "tpu.region"() ({
      %run_scoped3A = tpu.sem_alloc : memref<!tpu.dma_semaphore, #tpu.memory_space<semaphore_mem>>
      %dma_start3A = arith.constant 0 : i32
      %dma_start3A_15 = tpu.memref_slice %arg3[%mul3A_4, %dma_start3A] : memref<2560x128xi32, #tpu.memory_space<hbm>> -> memref<80x128xi32, #tpu.memory_space<hbm>>
      %dma_start3A_16 = arith.constant 0 : i32
      %dma_start3A_17 = tpu.memref_slice %arg3[%mul3A_4, %dma_start3A_16] : memref<2560x128xi32, #tpu.memory_space<hbm>> -> memref<80x128xi32, #tpu.memory_space<hbm>>
      tpu.enqueue_dma source(%dma_start3A_17 : memref<80x128xi32, #tpu.memory_space<hbm>>) target(%arg11 : memref<80x128xi32, #tpu.memory_space<vmem>>) target_semaphore(%run_scoped3A : memref<!tpu.dma_semaphore, #tpu.memory_space<semaphore_mem>>)
      %dma_wait3A = arith.constant 0 : i32
      %dma_wait3A_18 = tpu.memref_slice %arg3[%mul3A_4, %dma_wait3A] : memref<2560x128xi32, #tpu.memory_space<hbm>> -> memref<80x128xi32, #tpu.memory_space<hbm>>
      %dma_wait3A_19 = arith.constant 0 : i32
      %dma_wait3A_20 = tpu.memref_slice %arg3[%mul3A_4, %dma_wait3A_19] : memref<2560x128xi32, #tpu.memory_space<hbm>> -> memref<80x128xi32, #tpu.memory_space<hbm>>
      tpu.wait_dma2 semaphore(%run_scoped3A : memref<!tpu.dma_semaphore, #tpu.memory_space<semaphore_mem>>) src(%dma_wait3A_20 : memref<80x128xi32, #tpu.memory_space<hbm>>) dst(%arg11 : memref<80x128xi32, #tpu.memory_space<vmem>>)
      tpu.yield
    }) : () -> ()
    %mul3A_5 = arith.constant 80 : i32
    %mul3A_6 = arith.muli %add3A, %mul3A_5 : i32
    "tpu.region"() ({
      %run_scoped3A = tpu.sem_alloc : memref<!tpu.dma_semaphore, #tpu.memory_space<semaphore_mem>>
      %dma_start3A = arith.constant 0 : i32
      %dma_start3A_15 = tpu.memref_slice %arg4[%mul3A_6, %dma_start3A] : memref<2560x128xi32, #tpu.memory_space<hbm>> -> memref<80x128xi32, #tpu.memory_space<hbm>>
      %dma_start3A_16 = arith.constant 0 : i32
      %dma_start3A_17 = tpu.memref_slice %arg4[%mul3A_6, %dma_start3A_16] : memref<2560x128xi32, #tpu.memory_space<hbm>> -> memref<80x128xi32, #tpu.memory_space<hbm>>
      tpu.enqueue_dma source(%dma_start3A_17 : memref<80x128xi32, #tpu.memory_space<hbm>>) target(%arg8 : memref<80x128xi32, #tpu.memory_space<vmem>>) target_semaphore(%run_scoped3A : memref<!tpu.dma_semaphore, #tpu.memory_space<semaphore_mem>>)
      %dma_wait3A = arith.constant 0 : i32
      %dma_wait3A_18 = tpu.memref_slice %arg4[%mul3A_6, %dma_wait3A] : memref<2560x128xi32, #tpu.memory_space<hbm>> -> memref<80x128xi32, #tpu.memory_space<hbm>>
      %dma_wait3A_19 = arith.constant 0 : i32
      %dma_wait3A_20 = tpu.memref_slice %arg4[%mul3A_6, %dma_wait3A_19] : memref<2560x128xi32, #tpu.memory_space<hbm>> -> memref<80x128xi32, #tpu.memory_space<hbm>>
      tpu.wait_dma2 semaphore(%run_scoped3A : memref<!tpu.dma_semaphore, #tpu.memory_space<semaphore_mem>>) src(%dma_wait3A_20 : memref<80x128xi32, #tpu.memory_space<hbm>>) dst(%arg8 : memref<80x128xi32, #tpu.memory_space<vmem>>)
      tpu.yield
    }) : () -> ()
    %barrier3A = arith.constant 0 : index
    tpu.barrier barrier_id(%barrier3A)
    %scan3A = arith.constant 0 : i32
    %scan3A_7 = arith.constant 80 : i32
    %scan3A_8 = arith.addi %scan3A, %scan3A_7 : i32
    %scan3A_9 = arith.constant 1 : i32
    scf.for %scan3A_15 = %scan3A to %scan3A_8 step %scan3A_9  : i32 {
      %mul3A_16 = arith.constant 1 : i32
      %mul3A_17 = arith.muli %scan3A_15, %mul3A_16 : i32
      %add3A_18 = arith.constant 0 : i32
      %add3A_19 = arith.addi %add3A_18, %mul3A_17 : i32
      %dma_start3A = arith.constant 0 : i32
      %dma_start3A_20 = tpu.memref_slice %arg11[%add3A_19, %dma_start3A] : memref<80x128xi32, #tpu.memory_space<vmem>> -> memref<1x128xi32, #tpu.memory_space<vmem>>
      %dma_start3A_21 = tpu.memref_squeeze %dma_start3A_20 : memref<1x128xi32, #tpu.memory_space<vmem>> -> memref<128xi32, #tpu.memory_space<vmem>>
      %dma_start3A_22 = arith.constant 0 : i32
      %dma_start3A_23 = arith.constant 0 : i32
      %dma_start3A_24 = tpu.memref_slice %arg2[%dma_start3A_22, %dma_start3A_23] : memref<10000x128xf32, #tpu.memory_space<hbm>> -> memref<10000x128xf32, #tpu.memory_space<hbm>>
      tpu.enqueue_indirect_dma source(%dma_start3A_24 : memref<10000x128xf32, #tpu.memory_space<hbm>>) target(%arg9 : memref<128x128xf32, #tpu.memory_space<vmem>>) offsets(%dma_start3A_21 : memref<128xi32, #tpu.memory_space<vmem>>) semaphore(%arg10 : memref<!tpu.dma_semaphore, #tpu.memory_space<semaphore_mem>>)
      %dma_wait3A = arith.constant 0 : i32
      %dma_wait3A_25 = tpu.memref_slice %arg11[%add3A_19, %dma_wait3A] : memref<80x128xi32, #tpu.memory_space<vmem>> -> memref<1x128xi32, #tpu.memory_space<vmem>>
      %dma_wait3A_26 = tpu.memref_squeeze %dma_wait3A_25 : memref<1x128xi32, #tpu.memory_space<vmem>> -> memref<128xi32, #tpu.memory_space<vmem>>
      %dma_wait3A_27 = arith.constant 0 : i32
      %dma_wait3A_28 = arith.constant 0 : i32
      %dma_wait3A_29 = tpu.memref_slice %arg2[%dma_wait3A_27, %dma_wait3A_28] : memref<10000x128xf32, #tpu.memory_space<hbm>> -> memref<10000x128xf32, #tpu.memory_space<hbm>>
      tpu.wait_indirect_dma semaphore(%arg10 : memref<!tpu.dma_semaphore, #tpu.memory_space<semaphore_mem>>) src(%dma_wait3A_29 : memref<10000x128xf32, #tpu.memory_space<hbm>>) dst(%arg9 : memref<128x128xf32, #tpu.memory_space<vmem>>)
      "tpu.region"() ({
        %run_scoped3A = tpu.sem_alloc : memref<!tpu.dma_semaphore, #tpu.memory_space<semaphore_mem>>
        %dma_start3A_30 = arith.constant 0 : i32
        %dma_start3A_31 = tpu.memref_slice %arg8[%add3A_19, %dma_start3A_30] : memref<80x128xi32, #tpu.memory_space<vmem>> -> memref<1x128xi32, #tpu.memory_space<vmem>>
        %dma_start3A_32 = tpu.memref_squeeze %dma_start3A_31 : memref<1x128xi32, #tpu.memory_space<vmem>> -> memref<128xi32, #tpu.memory_space<vmem>>
        %dma_start3A_33 = arith.constant 0 : i32
        %dma_start3A_34 = arith.constant 0 : i32
        %dma_start3A_35 = tpu.memref_slice %arg7[%dma_start3A_33, %dma_start3A_34] : memref<10240x128xf32, #tpu.memory_space<vmem_shared>> -> memref<10240x128xf32, #tpu.memory_space<vmem_shared>>
        tpu.enqueue_indirect_dma source(%arg9 : memref<128x128xf32, #tpu.memory_space<vmem>>) target(%dma_start3A_35 : memref<10240x128xf32, #tpu.memory_space<vmem_shared>>) offsets(%dma_start3A_32 : memref<128xi32, #tpu.memory_space<vmem>>) semaphore(%run_scoped3A : memref<!tpu.dma_semaphore, #tpu.memory_space<semaphore_mem>>) {add = true}
        %dma_wait3A_36 = arith.constant 0 : i32
        %dma_wait3A_37 = tpu.memref_slice %arg8[%add3A_19, %dma_wait3A_36] : memref<80x128xi32, #tpu.memory_space<vmem>> -> memref<1x128xi32, #tpu.memory_space<vmem>>
        %dma_wait3A_38 = tpu.memref_squeeze %dma_wait3A_37 : memref<1x128xi32, #tpu.memory_space<vmem>> -> memref<128xi32, #tpu.memory_space<vmem>>
        %dma_wait3A_39 = arith.constant 0 : i32
        %dma_wait3A_40 = arith.constant 0 : i32
        %dma_wait3A_41 = tpu.memref_slice %arg7[%dma_wait3A_39, %dma_wait3A_40] : memref<10240x128xf32, #tpu.memory_space<vmem_shared>> -> memref<10240x128xf32, #tpu.memory_space<vmem_shared>>
        tpu.wait_indirect_dma semaphore(%run_scoped3A : memref<!tpu.dma_semaphore, #tpu.memory_space<semaphore_mem>>) src(%arg9 : memref<128x128xf32, #tpu.memory_space<vmem>>) dst(%dma_wait3A_41 : memref<10240x128xf32, #tpu.memory_space<vmem_shared>>)
        tpu.yield
      }) : () -> ()
    }
    %scan3A_10 = arith.constant 80 : i32
    %barrier3A_11 = arith.constant 0 : index
    tpu.barrier barrier_id(%barrier3A_11)
    %mul3A_12 = arith.constant 10240 : i32
    %mul3A_13 = arith.muli %arg0, %mul3A_12 : i32
    %add3A_14 = arith.addi %mul3A_13, %mul3A_2 : i32
    "tpu.region"() ({
      %run_scoped3A = tpu.sem_alloc : memref<!tpu.dma_semaphore, #tpu.memory_space<semaphore_mem>>
      %dma_start3A = arith.constant 0 : i32
      %dma_start3A_15 = tpu.memref_slice %arg6[%add3A_14, %dma_start3A] : memref<20480x128xf32, #tpu.memory_space<hbm>> -> memref<640x128xf32, #tpu.memory_space<hbm>>
      %dma_start3A_16 = arith.constant 0 : i32
      %dma_start3A_17 = tpu.memref_slice %arg7[%mul3A_2, %dma_start3A_16] : memref<10240x128xf32, #tpu.memory_space<vmem_shared>> -> memref<640x128xf32, #tpu.memory_space<vmem_shared>>
      tpu.enqueue_dma source(%dma_start3A_17 : memref<640x128xf32, #tpu.memory_space<vmem_shared>>) target(%dma_start3A_15 : memref<640x128xf32, #tpu.memory_space<hbm>>) target_semaphore(%run_scoped3A : memref<!tpu.dma_semaphore, #tpu.memory_space<semaphore_mem>>)
      %dma_wait3A = arith.constant 0 : i32
      %dma_wait3A_18 = tpu.memref_slice %arg6[%add3A_14, %dma_wait3A] : memref<20480x128xf32, #tpu.memory_space<hbm>> -> memref<640x128xf32, #tpu.memory_space<hbm>>
      %dma_wait3A_19 = arith.constant 0 : i32
      %dma_wait3A_20 = tpu.memref_slice %arg7[%mul3A_2, %dma_wait3A_19] : memref<10240x128xf32, #tpu.memory_space<vmem_shared>> -> memref<640x128xf32, #tpu.memory_space<vmem_shared>>
      tpu.wait_dma2 semaphore(%run_scoped3A : memref<!tpu.dma_semaphore, #tpu.memory_space<semaphore_mem>>) src(%dma_wait3A_20 : memref<640x128xf32, #tpu.memory_space<vmem_shared>>) dst(%dma_wait3A_18 : memref<640x128xf32, #tpu.memory_space<hbm>>)
      tpu.yield
    }) : () -> ()
    return
  }
}

#map = affine_map<(d0, d1) -> (0, 0)>
#map1 = affine_map<(d0, d1) -> (0)>
module attributes {stable_mosaic.version = 14 : i64} {
  func.func @_sc_degree(%arg0: i32, %arg1: i32, %arg2: memref<2560x128xi32, #tpu.memory_space<hbm>>, %arg3: memref<10240xf32, #tpu.memory_space<hbm>>, %arg4: memref<327680xf32, #tpu.memory_space<hbm>>, %arg5: memref<10240xf32, #tpu.memory_space<vmem>>, %arg6: memref<80x128xi32, #tpu.memory_space<vmem>>) attributes {dimension_semantics = [#tpu.dimension_semantics<core_parallel>, #tpu.dimension_semantics<subcore_parallel>], iteration_bounds = array<i64: 2, 16>, scalar_prefetch = 0 : i64, scratch_operands = 2 : i64, tpu.core_type = #tpu.core_type<sc_vector_subcore>, window_params = [{transform_indices = #map}, {transform_indices = #map1}, {transform_indices = #map1}]} {
    %mul3A = arith.constant 2 : i32
    %mul3A_0 = arith.muli %arg1, %mul3A : i32
    %add3A = arith.addi %mul3A_0, %arg0 : i32
    "tpu.region"() ({
      %run_scoped3A = tpu.sem_alloc : memref<!tpu.dma_semaphore, #tpu.memory_space<semaphore_mem>>
      tpu.enqueue_dma source(%arg3 : memref<10240xf32, #tpu.memory_space<hbm>>) target(%arg5 : memref<10240xf32, #tpu.memory_space<vmem>>) target_semaphore(%run_scoped3A : memref<!tpu.dma_semaphore, #tpu.memory_space<semaphore_mem>>)
      tpu.wait_dma2 semaphore(%run_scoped3A : memref<!tpu.dma_semaphore, #tpu.memory_space<semaphore_mem>>) src(%arg3 : memref<10240xf32, #tpu.memory_space<hbm>>) dst(%arg5 : memref<10240xf32, #tpu.memory_space<vmem>>)
      tpu.yield
    }) : () -> ()
    %mul3A_1 = arith.constant 80 : i32
    %mul3A_2 = arith.muli %add3A, %mul3A_1 : i32
    "tpu.region"() ({
      %run_scoped3A = tpu.sem_alloc : memref<!tpu.dma_semaphore, #tpu.memory_space<semaphore_mem>>
      %dma_start3A = arith.constant 0 : i32
      %dma_start3A_10 = tpu.memref_slice %arg2[%mul3A_2, %dma_start3A] : memref<2560x128xi32, #tpu.memory_space<hbm>> -> memref<80x128xi32, #tpu.memory_space<hbm>>
      %dma_start3A_11 = arith.constant 0 : i32
      %dma_start3A_12 = tpu.memref_slice %arg2[%mul3A_2, %dma_start3A_11] : memref<2560x128xi32, #tpu.memory_space<hbm>> -> memref<80x128xi32, #tpu.memory_space<hbm>>
      tpu.enqueue_dma source(%dma_start3A_12 : memref<80x128xi32, #tpu.memory_space<hbm>>) target(%arg6 : memref<80x128xi32, #tpu.memory_space<vmem>>) target_semaphore(%run_scoped3A : memref<!tpu.dma_semaphore, #tpu.memory_space<semaphore_mem>>)
      %dma_wait3A = arith.constant 0 : i32
      %dma_wait3A_13 = tpu.memref_slice %arg2[%mul3A_2, %dma_wait3A] : memref<2560x128xi32, #tpu.memory_space<hbm>> -> memref<80x128xi32, #tpu.memory_space<hbm>>
      %dma_wait3A_14 = arith.constant 0 : i32
      %dma_wait3A_15 = tpu.memref_slice %arg2[%mul3A_2, %dma_wait3A_14] : memref<2560x128xi32, #tpu.memory_space<hbm>> -> memref<80x128xi32, #tpu.memory_space<hbm>>
      tpu.wait_dma2 semaphore(%run_scoped3A : memref<!tpu.dma_semaphore, #tpu.memory_space<semaphore_mem>>) src(%dma_wait3A_15 : memref<80x128xi32, #tpu.memory_space<hbm>>) dst(%arg6 : memref<80x128xi32, #tpu.memory_space<vmem>>)
      tpu.yield
    }) : () -> ()
    %broadcast_in_dim3A = arith.constant 1.000000e+00 : f32
    %broadcast_in_dim3A_3 = vector.broadcast %broadcast_in_dim3A : f32 to vector<16xf32>
    %scan3A = arith.constant 0 : i32
    %scan3A_4 = arith.constant 80 : i32
    %scan3A_5 = arith.addi %scan3A, %scan3A_4 : i32
    %scan3A_6 = arith.constant 1 : i32
    scf.for %scan3A_10 = %scan3A to %scan3A_5 step %scan3A_6  : i32 {
      %mul3A_11 = arith.constant 1 : i32
      %mul3A_12 = arith.muli %scan3A_10, %mul3A_11 : i32
      %add3A_13 = arith.constant 0 : i32
      %add3A_14 = arith.addi %add3A_13, %mul3A_12 : i32
      %get3A = arith.index_cast %add3A_14 : i32 to index
      %get3A_15 = arith.constant 0 : index
      %get3A_16 = tpu.vector_load %arg6[%get3A, %get3A_15] {strides = array<i32>} : memref<80x128xi32, #tpu.memory_space<vmem>>, vector<16xi32>,
      tpu.vector_store_idx %arg5[%get3A_16], %broadcast_in_dim3A_3 {add = true} : memref<10240xf32, #tpu.memory_space<vmem>>[vector<16xi32>], vector<16xf32>,
      %get3A_17 = arith.index_cast %add3A_14 : i32 to index
      %get3A_18 = arith.constant 16 : index
      %get3A_19 = tpu.vector_load %arg6[%get3A_17, %get3A_18] {strides = array<i32>} : memref<80x128xi32, #tpu.memory_space<vmem>>, vector<16xi32>,
      tpu.vector_store_idx %arg5[%get3A_19], %broadcast_in_dim3A_3 {add = true} : memref<10240xf32, #tpu.memory_space<vmem>>[vector<16xi32>], vector<16xf32>,
      %get3A_20 = arith.index_cast %add3A_14 : i32 to index
      %get3A_21 = arith.constant 32 : index
      %get3A_22 = tpu.vector_load %arg6[%get3A_20, %get3A_21] {strides = array<i32>} : memref<80x128xi32, #tpu.memory_space<vmem>>, vector<16xi32>,
      tpu.vector_store_idx %arg5[%get3A_22], %broadcast_in_dim3A_3 {add = true} : memref<10240xf32, #tpu.memory_space<vmem>>[vector<16xi32>], vector<16xf32>,
      %get3A_23 = arith.index_cast %add3A_14 : i32 to index
      %get3A_24 = arith.constant 48 : index
      %get3A_25 = tpu.vector_load %arg6[%get3A_23, %get3A_24] {strides = array<i32>} : memref<80x128xi32, #tpu.memory_space<vmem>>, vector<16xi32>,
      tpu.vector_store_idx %arg5[%get3A_25], %broadcast_in_dim3A_3 {add = true} : memref<10240xf32, #tpu.memory_space<vmem>>[vector<16xi32>], vector<16xf32>,
      %get3A_26 = arith.index_cast %add3A_14 : i32 to index
      %get3A_27 = arith.constant 64 : index
      %get3A_28 = tpu.vector_load %arg6[%get3A_26, %get3A_27] {strides = array<i32>} : memref<80x128xi32, #tpu.memory_space<vmem>>, vector<16xi32>,
      tpu.vector_store_idx %arg5[%get3A_28], %broadcast_in_dim3A_3 {add = true} : memref<10240xf32, #tpu.memory_space<vmem>>[vector<16xi32>], vector<16xf32>,
      %get3A_29 = arith.index_cast %add3A_14 : i32 to index
      %get3A_30 = arith.constant 80 : index
      %get3A_31 = tpu.vector_load %arg6[%get3A_29, %get3A_30] {strides = array<i32>} : memref<80x128xi32, #tpu.memory_space<vmem>>, vector<16xi32>,
      tpu.vector_store_idx %arg5[%get3A_31], %broadcast_in_dim3A_3 {add = true} : memref<10240xf32, #tpu.memory_space<vmem>>[vector<16xi32>], vector<16xf32>,
      %get3A_32 = arith.index_cast %add3A_14 : i32 to index
      %get3A_33 = arith.constant 96 : index
      %get3A_34 = tpu.vector_load %arg6[%get3A_32, %get3A_33] {strides = array<i32>} : memref<80x128xi32, #tpu.memory_space<vmem>>, vector<16xi32>,
      tpu.vector_store_idx %arg5[%get3A_34], %broadcast_in_dim3A_3 {add = true} : memref<10240xf32, #tpu.memory_space<vmem>>[vector<16xi32>], vector<16xf32>,
      %get3A_35 = arith.index_cast %add3A_14 : i32 to index
      %get3A_36 = arith.constant 112 : index
      %get3A_37 = tpu.vector_load %arg6[%get3A_35, %get3A_36] {strides = array<i32>} : memref<80x128xi32, #tpu.memory_space<vmem>>, vector<16xi32>,
      tpu.vector_store_idx %arg5[%get3A_37], %broadcast_in_dim3A_3 {add = true} : memref<10240xf32, #tpu.memory_space<vmem>>[vector<16xi32>], vector<16xf32>,
    }
    %scan3A_7 = arith.constant 80 : i32
    %mul3A_8 = arith.constant 10240 : i32
    %mul3A_9 = arith.muli %add3A, %mul3A_8 : i32
    "tpu.region"() ({
      %run_scoped3A = tpu.sem_alloc : memref<!tpu.dma_semaphore, #tpu.memory_space<semaphore_mem>>
      %dma_start3A = tpu.memref_slice %arg4[%mul3A_9] : memref<327680xf32, #tpu.memory_space<hbm>> -> memref<10240xf32, #tpu.memory_space<hbm>>
      %dma_start3A_10 = tpu.memref_slice %arg4[%mul3A_9] : memref<327680xf32, #tpu.memory_space<hbm>> -> memref<10240xf32, #tpu.memory_space<hbm>>
      tpu.enqueue_dma source(%arg5 : memref<10240xf32, #tpu.memory_space<vmem>>) target(%dma_start3A_10 : memref<10240xf32, #tpu.memory_space<hbm>>) target_semaphore(%run_scoped3A : memref<!tpu.dma_semaphore, #tpu.memory_space<semaphore_mem>>)
      %dma_wait3A = tpu.memref_slice %arg4[%mul3A_9] : memref<327680xf32, #tpu.memory_space<hbm>> -> memref<10240xf32, #tpu.memory_space<hbm>>
      %dma_wait3A_11 = tpu.memref_slice %arg4[%mul3A_9] : memref<327680xf32, #tpu.memory_space<hbm>> -> memref<10240xf32, #tpu.memory_space<hbm>>
      tpu.wait_dma2 semaphore(%run_scoped3A : memref<!tpu.dma_semaphore, #tpu.memory_space<semaphore_mem>>) src(%arg5 : memref<10240xf32, #tpu.memory_space<vmem>>) dst(%dma_wait3A_11 : memref<10240xf32, #tpu.memory_space<hbm>>)
      tpu.yield
    }) : () -> ()
    return
  }
}

#map = affine_map<(d0, d1) -> (0, 0)>
module attributes {stable_mosaic.version = 14 : i64} {
  func.func @_sc_scatter(%arg0: i32, %arg1: i32, %arg2: memref<10000x128xf32, #tpu.memory_space<hbm>>, %arg3: memref<2560x128xi32, #tpu.memory_space<hbm>>, %arg4: memref<2560x128xi32, #tpu.memory_space<hbm>>, %arg5: memref<10240x128xf32, #tpu.memory_space<hbm>>, %arg6: memref<20480x128xf32, #tpu.memory_space<hbm>>, %arg7: memref<10240x128xf32, #tpu.memory_space<vmem_shared>>, %arg8: memref<80x128xi32, #tpu.memory_space<vmem>>, %arg9: memref<128x128xf32, #tpu.memory_space<vmem>>, %arg10: memref<!tpu.dma_semaphore, #tpu.memory_space<semaphore_mem>>, %arg11: memref<80x128xi32, #tpu.memory_space<vmem>>) attributes {dimension_semantics = [#tpu.dimension_semantics<core_parallel>, #tpu.dimension_semantics<subcore_parallel>], iteration_bounds = array<i64: 2, 16>, scalar_prefetch = 0 : i64, scratch_operands = 5 : i64, tpu.core_type = #tpu.core_type<sc_vector_subcore>, window_params = [{transform_indices = #map}, {transform_indices = #map}, {transform_indices = #map}, {transform_indices = #map}, {transform_indices = #map}]} {
    %mul3A = arith.constant 2 : i32
    %mul3A_0 = arith.muli %arg1, %mul3A : i32
    %add3A = arith.addi %mul3A_0, %arg0 : i32
    %mul3A_1 = arith.constant 640 : i32
    %mul3A_2 = arith.muli %arg1, %mul3A_1 : i32
    "tpu.region"() ({
      %run_scoped3A = tpu.sem_alloc : memref<!tpu.dma_semaphore, #tpu.memory_space<semaphore_mem>>
      %dma_start3A = arith.constant 0 : i32
      %dma_start3A_15 = tpu.memref_slice %arg7[%mul3A_2, %dma_start3A] : memref<10240x128xf32, #tpu.memory_space<vmem_shared>> -> memref<640x128xf32, #tpu.memory_space<vmem_shared>>
      %dma_start3A_16 = arith.constant 0 : i32
      %dma_start3A_17 = tpu.memref_slice %arg5[%mul3A_2, %dma_start3A_16] : memref<10240x128xf32, #tpu.memory_space<hbm>> -> memref<640x128xf32, #tpu.memory_space<hbm>>
      tpu.enqueue_dma source(%dma_start3A_17 : memref<640x128xf32, #tpu.memory_space<hbm>>) target(%dma_start3A_15 : memref<640x128xf32, #tpu.memory_space<vmem_shared>>) target_semaphore(%run_scoped3A : memref<!tpu.dma_semaphore, #tpu.memory_space<semaphore_mem>>)
      %dma_wait3A = arith.constant 0 : i32
      %dma_wait3A_18 = tpu.memref_slice %arg7[%mul3A_2, %dma_wait3A] : memref<10240x128xf32, #tpu.memory_space<vmem_shared>> -> memref<640x128xf32, #tpu.memory_space<vmem_shared>>
      %dma_wait3A_19 = arith.constant 0 : i32
      %dma_wait3A_20 = tpu.memref_slice %arg5[%mul3A_2, %dma_wait3A_19] : memref<10240x128xf32, #tpu.memory_space<hbm>> -> memref<640x128xf32, #tpu.memory_space<hbm>>
      tpu.wait_dma2 semaphore(%run_scoped3A : memref<!tpu.dma_semaphore, #tpu.memory_space<semaphore_mem>>) src(%dma_wait3A_20 : memref<640x128xf32, #tpu.memory_space<hbm>>) dst(%dma_wait3A_18 : memref<640x128xf32, #tpu.memory_space<vmem_shared>>)
      tpu.yield
    }) : () -> ()
    %mul3A_3 = arith.constant 80 : i32
    %mul3A_4 = arith.muli %add3A, %mul3A_3 : i32
    "tpu.region"() ({
      %run_scoped3A = tpu.sem_alloc : memref<!tpu.dma_semaphore, #tpu.memory_space<semaphore_mem>>
      %dma_start3A = arith.constant 0 : i32
      %dma_start3A_15 = tpu.memref_slice %arg3[%mul3A_4, %dma_start3A] : memref<2560x128xi32, #tpu.memory_space<hbm>> -> memref<80x128xi32, #tpu.memory_space<hbm>>
      %dma_start3A_16 = arith.constant 0 : i32
      %dma_start3A_17 = tpu.memref_slice %arg3[%mul3A_4, %dma_start3A_16] : memref<2560x128xi32, #tpu.memory_space<hbm>> -> memref<80x128xi32, #tpu.memory_space<hbm>>
      tpu.enqueue_dma source(%dma_start3A_17 : memref<80x128xi32, #tpu.memory_space<hbm>>) target(%arg11 : memref<80x128xi32, #tpu.memory_space<vmem>>) target_semaphore(%run_scoped3A : memref<!tpu.dma_semaphore, #tpu.memory_space<semaphore_mem>>)
      %dma_wait3A = arith.constant 0 : i32
      %dma_wait3A_18 = tpu.memref_slice %arg3[%mul3A_4, %dma_wait3A] : memref<2560x128xi32, #tpu.memory_space<hbm>> -> memref<80x128xi32, #tpu.memory_space<hbm>>
      %dma_wait3A_19 = arith.constant 0 : i32
      %dma_wait3A_20 = tpu.memref_slice %arg3[%mul3A_4, %dma_wait3A_19] : memref<2560x128xi32, #tpu.memory_space<hbm>> -> memref<80x128xi32, #tpu.memory_space<hbm>>
      tpu.wait_dma2 semaphore(%run_scoped3A : memref<!tpu.dma_semaphore, #tpu.memory_space<semaphore_mem>>) src(%dma_wait3A_20 : memref<80x128xi32, #tpu.memory_space<hbm>>) dst(%arg11 : memref<80x128xi32, #tpu.memory_space<vmem>>)
      tpu.yield
    }) : () -> ()
    %mul3A_5 = arith.constant 80 : i32
    %mul3A_6 = arith.muli %add3A, %mul3A_5 : i32
    "tpu.region"() ({
      %run_scoped3A = tpu.sem_alloc : memref<!tpu.dma_semaphore, #tpu.memory_space<semaphore_mem>>
      %dma_start3A = arith.constant 0 : i32
      %dma_start3A_15 = tpu.memref_slice %arg4[%mul3A_6, %dma_start3A] : memref<2560x128xi32, #tpu.memory_space<hbm>> -> memref<80x128xi32, #tpu.memory_space<hbm>>
      %dma_start3A_16 = arith.constant 0 : i32
      %dma_start3A_17 = tpu.memref_slice %arg4[%mul3A_6, %dma_start3A_16] : memref<2560x128xi32, #tpu.memory_space<hbm>> -> memref<80x128xi32, #tpu.memory_space<hbm>>
      tpu.enqueue_dma source(%dma_start3A_17 : memref<80x128xi32, #tpu.memory_space<hbm>>) target(%arg8 : memref<80x128xi32, #tpu.memory_space<vmem>>) target_semaphore(%run_scoped3A : memref<!tpu.dma_semaphore, #tpu.memory_space<semaphore_mem>>)
      %dma_wait3A = arith.constant 0 : i32
      %dma_wait3A_18 = tpu.memref_slice %arg4[%mul3A_6, %dma_wait3A] : memref<2560x128xi32, #tpu.memory_space<hbm>> -> memref<80x128xi32, #tpu.memory_space<hbm>>
      %dma_wait3A_19 = arith.constant 0 : i32
      %dma_wait3A_20 = tpu.memref_slice %arg4[%mul3A_6, %dma_wait3A_19] : memref<2560x128xi32, #tpu.memory_space<hbm>> -> memref<80x128xi32, #tpu.memory_space<hbm>>
      tpu.wait_dma2 semaphore(%run_scoped3A : memref<!tpu.dma_semaphore, #tpu.memory_space<semaphore_mem>>) src(%dma_wait3A_20 : memref<80x128xi32, #tpu.memory_space<hbm>>) dst(%arg8 : memref<80x128xi32, #tpu.memory_space<vmem>>)
      tpu.yield
    }) : () -> ()
    %barrier3A = arith.constant 0 : index
    tpu.barrier barrier_id(%barrier3A)
    %scan3A = arith.constant 0 : i32
    %scan3A_7 = arith.constant 80 : i32
    %scan3A_8 = arith.addi %scan3A, %scan3A_7 : i32
    %scan3A_9 = arith.constant 1 : i32
    scf.for %scan3A_15 = %scan3A to %scan3A_8 step %scan3A_9  : i32 {
      %mul3A_16 = arith.constant 1 : i32
      %mul3A_17 = arith.muli %scan3A_15, %mul3A_16 : i32
      %add3A_18 = arith.constant 0 : i32
      %add3A_19 = arith.addi %add3A_18, %mul3A_17 : i32
      %dma_start3A = arith.constant 0 : i32
      %dma_start3A_20 = tpu.memref_slice %arg11[%add3A_19, %dma_start3A] : memref<80x128xi32, #tpu.memory_space<vmem>> -> memref<1x128xi32, #tpu.memory_space<vmem>>
      %dma_start3A_21 = tpu.memref_squeeze %dma_start3A_20 : memref<1x128xi32, #tpu.memory_space<vmem>> -> memref<128xi32, #tpu.memory_space<vmem>>
      %dma_start3A_22 = arith.constant 0 : i32
      %dma_start3A_23 = arith.constant 0 : i32
      %dma_start3A_24 = tpu.memref_slice %arg2[%dma_start3A_22, %dma_start3A_23] : memref<10000x128xf32, #tpu.memory_space<hbm>> -> memref<10000x128xf32, #tpu.memory_space<hbm>>
      tpu.enqueue_indirect_dma source(%dma_start3A_24 : memref<10000x128xf32, #tpu.memory_space<hbm>>) target(%arg9 : memref<128x128xf32, #tpu.memory_space<vmem>>) offsets(%dma_start3A_21 : memref<128xi32, #tpu.memory_space<vmem>>) semaphore(%arg10 : memref<!tpu.dma_semaphore, #tpu.memory_space<semaphore_mem>>)
      %dma_wait3A = arith.constant 0 : i32
      %dma_wait3A_25 = tpu.memref_slice %arg11[%add3A_19, %dma_wait3A] : memref<80x128xi32, #tpu.memory_space<vmem>> -> memref<1x128xi32, #tpu.memory_space<vmem>>
      %dma_wait3A_26 = tpu.memref_squeeze %dma_wait3A_25 : memref<1x128xi32, #tpu.memory_space<vmem>> -> memref<128xi32, #tpu.memory_space<vmem>>
      %dma_wait3A_27 = arith.constant 0 : i32
      %dma_wait3A_28 = arith.constant 0 : i32
      %dma_wait3A_29 = tpu.memref_slice %arg2[%dma_wait3A_27, %dma_wait3A_28] : memref<10000x128xf32, #tpu.memory_space<hbm>> -> memref<10000x128xf32, #tpu.memory_space<hbm>>
      tpu.wait_indirect_dma semaphore(%arg10 : memref<!tpu.dma_semaphore, #tpu.memory_space<semaphore_mem>>) src(%dma_wait3A_29 : memref<10000x128xf32, #tpu.memory_space<hbm>>) dst(%arg9 : memref<128x128xf32, #tpu.memory_space<vmem>>)
      "tpu.region"() ({
        %run_scoped3A = tpu.sem_alloc : memref<!tpu.dma_semaphore, #tpu.memory_space<semaphore_mem>>
        %dma_start3A_30 = arith.constant 0 : i32
        %dma_start3A_31 = tpu.memref_slice %arg8[%add3A_19, %dma_start3A_30] : memref<80x128xi32, #tpu.memory_space<vmem>> -> memref<1x128xi32, #tpu.memory_space<vmem>>
        %dma_start3A_32 = tpu.memref_squeeze %dma_start3A_31 : memref<1x128xi32, #tpu.memory_space<vmem>> -> memref<128xi32, #tpu.memory_space<vmem>>
        %dma_start3A_33 = arith.constant 0 : i32
        %dma_start3A_34 = arith.constant 0 : i32
        %dma_start3A_35 = tpu.memref_slice %arg7[%dma_start3A_33, %dma_start3A_34] : memref<10240x128xf32, #tpu.memory_space<vmem_shared>> -> memref<10240x128xf32, #tpu.memory_space<vmem_shared>>
        tpu.enqueue_indirect_dma source(%arg9 : memref<128x128xf32, #tpu.memory_space<vmem>>) target(%dma_start3A_35 : memref<10240x128xf32, #tpu.memory_space<vmem_shared>>) offsets(%dma_start3A_32 : memref<128xi32, #tpu.memory_space<vmem>>) semaphore(%run_scoped3A : memref<!tpu.dma_semaphore, #tpu.memory_space<semaphore_mem>>) {add = true}
        %dma_wait3A_36 = arith.constant 0 : i32
        %dma_wait3A_37 = tpu.memref_slice %arg8[%add3A_19, %dma_wait3A_36] : memref<80x128xi32, #tpu.memory_space<vmem>> -> memref<1x128xi32, #tpu.memory_space<vmem>>
        %dma_wait3A_38 = tpu.memref_squeeze %dma_wait3A_37 : memref<1x128xi32, #tpu.memory_space<vmem>> -> memref<128xi32, #tpu.memory_space<vmem>>
        %dma_wait3A_39 = arith.constant 0 : i32
        %dma_wait3A_40 = arith.constant 0 : i32
        %dma_wait3A_41 = tpu.memref_slice %arg7[%dma_wait3A_39, %dma_wait3A_40] : memref<10240x128xf32, #tpu.memory_space<vmem_shared>> -> memref<10240x128xf32, #tpu.memory_space<vmem_shared>>
        tpu.wait_indirect_dma semaphore(%run_scoped3A : memref<!tpu.dma_semaphore, #tpu.memory_space<semaphore_mem>>) src(%arg9 : memref<128x128xf32, #tpu.memory_space<vmem>>) dst(%dma_wait3A_41 : memref<10240x128xf32, #tpu.memory_space<vmem_shared>>)
        tpu.yield
      }) : () -> ()
    }
    %scan3A_10 = arith.constant 80 : i32
    %barrier3A_11 = arith.constant 0 : index
    tpu.barrier barrier_id(%barrier3A_11)
    %mul3A_12 = arith.constant 10240 : i32
    %mul3A_13 = arith.muli %arg0, %mul3A_12 : i32
    %add3A_14 = arith.addi %mul3A_13, %mul3A_2 : i32
    "tpu.region"() ({
      %run_scoped3A = tpu.sem_alloc : memref<!tpu.dma_semaphore, #tpu.memory_space<semaphore_mem>>
      %dma_start3A = arith.constant 0 : i32
      %dma_start3A_15 = tpu.memref_slice %arg6[%add3A_14, %dma_start3A] : memref<20480x128xf32, #tpu.memory_space<hbm>> -> memref<640x128xf32, #tpu.memory_space<hbm>>
      %dma_start3A_16 = arith.constant 0 : i32
      %dma_start3A_17 = tpu.memref_slice %arg7[%mul3A_2, %dma_start3A_16] : memref<10240x128xf32, #tpu.memory_space<vmem_shared>> -> memref<640x128xf32, #tpu.memory_space<vmem_shared>>
      tpu.enqueue_dma source(%dma_start3A_17 : memref<640x128xf32, #tpu.memory_space<vmem_shared>>) target(%dma_start3A_15 : memref<640x128xf32, #tpu.memory_space<hbm>>) target_semaphore(%run_scoped3A : memref<!tpu.dma_semaphore, #tpu.memory_space<semaphore_mem>>)
      %dma_wait3A = arith.constant 0 : i32
      %dma_wait3A_18 = tpu.memref_slice %arg6[%add3A_14, %dma_wait3A] : memref<20480x128xf32, #tpu.memory_space<hbm>> -> memref<640x128xf32, #tpu.memory_space<hbm>>
      %dma_wait3A_19 = arith.constant 0 : i32
      %dma_wait3A_20 = tpu.memref_slice %arg7[%mul3A_2, %dma_wait3A_19] : memref<10240x128xf32, #tpu.memory_space<vmem_shared>> -> memref<640x128xf32, #tpu.memory_space<vmem_shared>>
      tpu.wait_dma2 semaphore(%run_scoped3A : memref<!tpu.dma_semaphore, #tpu.memory_space<semaphore_mem>>) src(%dma_wait3A_20 : memref<640x128xf32, #tpu.memory_space<vmem_shared>>) dst(%dma_wait3A_18 : memref<640x128xf32, #tpu.memory_space<hbm>>)
      tpu.yield
    }) : () -> ()
    return
  }
}

module attributes {stable_mosaic.version = 14 : i64} {
  func.func @_tc_dis_body(%arg0: i32, %arg1: memref<32x80x128xf32, #tpu.memory_space<vmem>>, %arg2: memref<80x128xf32, #tpu.memory_space<vmem>>) attributes {dimension_semantics = [#tpu.dimension_semantics<arbitrary>], iteration_bounds = array<i64: 1>, scalar_prefetch = 0 : i64, scratch_operands = 0 : i64, tpu.core_type = #tpu.core_type<tc>, window_params = [{pipeline_mode = #tpu.pipeline_mode<synchronous>, transform_indices = @transform_0, window_bounds = array<i64: 32, 80, 128>}, {pipeline_mode = #tpu.pipeline_mode<synchronous>, transform_indices = @transform_1, window_bounds = array<i64: 80, 128>}]} {
    %get3A = arith.constant 0 : index
    %get3A_0 = arith.constant 0 : index
    %get3A_1 = arith.constant 0 : index
    %get3A_2 = vector.load %arg1[%get3A, %get3A_0, %get3A_1] : memref<32x80x128xf32, #tpu.memory_space<vmem>>, vector<32x80x128xf32>
    %reduce_sum3A = arith.constant dense<0.000000e+00> : vector<80x128xf32>
    %reduce_sum3A_3 = vector.multi_reduction <add>, %get3A_2, %reduce_sum3A [0] : vector<32x80x128xf32> to vector<80x128xf32>
    %add3A = arith.constant 1.000000e+00 : f32
    %add3A_4 = vector.broadcast %add3A : f32 to vector<80x128xf32>
    %add3A_5 = arith.addf %reduce_sum3A_3, %add3A_4 : vector<80x128xf32>
    %rsqrt3A = math.rsqrt %add3A_5 : vector<80x128xf32>
    %swap3A = arith.constant 0 : index
    %swap3A_6 = arith.constant 0 : index
    %swap3A_7 = vector.load %arg2[%swap3A, %swap3A_6] : memref<80x128xf32, #tpu.memory_space<vmem>>, vector<80x128xf32>
    tpu.vector_store %arg2[%swap3A, %swap3A_6], %rsqrt3A {strides = array<i32>} : memref<80x128xf32, #tpu.memory_space<vmem>>, vector<80x128xf32>,
    return
  }
  func.func @transform_0(%arg0: i32) -> (i32, i32, i32) {
    %c0_i32 = arith.constant 0 : i32
    %c0_i32_0 = arith.constant 0 : i32
    %c0_i32_1 = arith.constant 0 : i32
    %c0_i32_2 = arith.constant 0 : i32
    return %c0_i32, %c0_i32_0, %c0_i32_1 : i32, i32, i32
  }
  func.func @transform_1(%arg0: i32) -> (i32, i32) {
    %c0_i32 = arith.constant 0 : i32
    %c0_i32_0 = arith.constant 0 : i32
    %c0_i32_1 = arith.constant 0 : i32
    return %c0_i32, %c0_i32_0 : i32, i32
  }
}

module attributes {stable_mosaic.version = 14 : i64} {
  func.func @_tc1_body(%arg0: i32, %arg1: memref<400x1xf32, #tpu.memory_space<vmem>>, %arg2: memref<400x128xf32, #tpu.memory_space<vmem>>, %arg3: memref<128x128xf32, #tpu.memory_space<vmem>>, %arg4: memref<400x128xf32, #tpu.memory_space<vmem>>) attributes {dimension_semantics = [#tpu.dimension_semantics<arbitrary>], iteration_bounds = array<i64: 25>, scalar_prefetch = 0 : i64, scratch_operands = 0 : i64, tpu.core_type = #tpu.core_type<tc>, window_params = [{transform_indices = @transform_0, window_bounds = array<i64: 400, 1>}, {transform_indices = @transform_1, window_bounds = array<i64: 400, 128>}, {pipeline_mode = #tpu.pipeline_mode<synchronous>, transform_indices = @transform_2, window_bounds = array<i64: 128, 128>}, {transform_indices = @transform_3, window_bounds = array<i64: 400, 128>}]} {
    %get3A = arith.constant 0 : index
    %get3A_0 = arith.constant 0 : index
    %get3A_1 = vector.load %arg2[%get3A, %get3A_0] : memref<400x128xf32, #tpu.memory_space<vmem>>, vector<400x128xf32>
    %get3A_2 = arith.constant 0 : index
    %get3A_3 = arith.constant 0 : index
    %get3A_4 = vector.load %arg3[%get3A_2, %get3A_3] : memref<128x128xf32, #tpu.memory_space<vmem>>, vector<128x128xf32>
    %dot_general3A = arith.constant dense<0.000000e+00> : vector<400x128xf32>
    %dot_general3A_5 = tpu.matmul %get3A_1, %get3A_4, %dot_general3A {dimension_numbers = #tpu.dot_dimension_numbers<[1], [0], [0], [1], [0, 0, 1, 1], [], []>, precision = #tpu.contract_precision<fp32>, transpose_lhs_hint = false} : vector<400x128xf32>, vector<128x128xf32>, vector<400x128xf32> -> vector<400x128xf32>
    %get3A_6 = arith.constant 0 : index
    %get3A_7 = arith.constant 0 : index
    %get3A_8 = vector.load %arg1[%get3A_6, %get3A_7] : memref<400x1xf32, #tpu.memory_space<vmem>>, vector<400x1xf32>
    %mul3A = vector.broadcast %get3A_8 : vector<400x1xf32> to vector<400x128xf32>
    %mul3A_9 = arith.mulf %dot_general3A_5, %mul3A : vector<400x128xf32>
    %swap3A = arith.constant 0 : index
    %swap3A_10 = arith.constant 0 : index
    %swap3A_11 = vector.load %arg4[%swap3A, %swap3A_10] : memref<400x128xf32, #tpu.memory_space<vmem>>, vector<400x128xf32>
    tpu.vector_store %arg4[%swap3A, %swap3A_10], %mul3A_9 {strides = array<i32>} : memref<400x128xf32, #tpu.memory_space<vmem>>, vector<400x128xf32>,
    return
  }
  func.func @transform_0(%arg0: i32) -> (i32, i32) {
    %c0_i32 = arith.constant 0 : i32
    %c0_i32_0 = arith.constant 0 : i32
    return %arg0, %c0_i32 : i32, i32
  }
  func.func @transform_1(%arg0: i32) -> (i32, i32) {
    %c0_i32 = arith.constant 0 : i32
    %c0_i32_0 = arith.constant 0 : i32
    return %arg0, %c0_i32 : i32, i32
  }
  func.func @transform_2(%arg0: i32) -> (i32, i32) {
    %c0_i32 = arith.constant 0 : i32
    %c0_i32_0 = arith.constant 0 : i32
    %c0_i32_1 = arith.constant 0 : i32
    return %c0_i32, %c0_i32_0 : i32, i32
  }
  func.func @transform_3(%arg0: i32) -> (i32, i32) {
    %c0_i32 = arith.constant 0 : i32
    %c0_i32_0 = arith.constant 0 : i32
    return %arg0, %c0_i32 : i32, i32
  }
}

module attributes {stable_mosaic.version = 14 : i64} {
  func.func @_tc2_body(%arg0: i32, %arg1: memref<400x1xf32, #tpu.memory_space<vmem>>, %arg2: memref<2x400x128xf32, #tpu.memory_space<vmem>>, %arg3: memref<400x128xf32, #tpu.memory_space<vmem>>, %arg4: memref<1x128xf32, #tpu.memory_space<vmem>>, %arg5: memref<128x128xf32, #tpu.memory_space<vmem>>, %arg6: memref<400x128xf32, #tpu.memory_space<vmem>>) attributes {dimension_semantics = [#tpu.dimension_semantics<arbitrary>], iteration_bounds = array<i64: 25>, scalar_prefetch = 0 : i64, scratch_operands = 0 : i64, tpu.core_type = #tpu.core_type<tc>, window_params = [{transform_indices = @transform_0, window_bounds = array<i64: 400, 1>}, {transform_indices = @transform_1, window_bounds = array<i64: 2, 400, 128>}, {transform_indices = @transform_2, window_bounds = array<i64: 400, 128>}, {pipeline_mode = #tpu.pipeline_mode<synchronous>, transform_indices = @transform_3, window_bounds = array<i64: 1, 128>}, {pipeline_mode = #tpu.pipeline_mode<synchronous>, transform_indices = @transform_4, window_bounds = array<i64: 128, 128>}, {transform_indices = @transform_5, window_bounds = array<i64: 400, 128>}]} {
    %get3A = arith.constant 0 : index
    %get3A_0 = arith.constant 0 : index
    %get3A_1 = vector.load %arg1[%get3A, %get3A_0] : memref<400x1xf32, #tpu.memory_space<vmem>>, vector<400x1xf32>
    %get3A_2 = arith.constant 0 : index
    %get3A_3 = arith.constant 0 : index
    %get3A_4 = arith.constant 0 : index
    %get3A_5 = vector.load %arg2[%get3A_2, %get3A_3, %get3A_4] : memref<2x400x128xf32, #tpu.memory_space<vmem>>, vector<1x400x128xf32>
    %get3A_6 = vector.shape_cast %get3A_5 : vector<1x400x128xf32> to vector<400x128xf32>
    %get3A_7 = arith.constant 1 : index
    %get3A_8 = arith.constant 0 : index
    %get3A_9 = arith.constant 0 : index
    %get3A_10 = vector.load %arg2[%get3A_7, %get3A_8, %get3A_9] : memref<2x400x128xf32, #tpu.memory_space<vmem>>, vector<1x400x128xf32>
    %get3A_11 = vector.shape_cast %get3A_10 : vector<1x400x128xf32> to vector<400x128xf32>
    %add3A = arith.addf %get3A_6, %get3A_11 : vector<400x128xf32>
    %get3A_12 = arith.constant 0 : index
    %get3A_13 = arith.constant 0 : index
    %get3A_14 = vector.load %arg3[%get3A_12, %get3A_13] : memref<400x128xf32, #tpu.memory_space<vmem>>, vector<400x128xf32>
    %add3A_15 = arith.addf %add3A, %get3A_14 : vector<400x128xf32>
    %mul3A = vector.broadcast %get3A_1 : vector<400x1xf32> to vector<400x128xf32>
    %mul3A_16 = arith.mulf %add3A_15, %mul3A : vector<400x128xf32>
    %get3A_17 = arith.constant 0 : index
    %get3A_18 = arith.constant 0 : index
    %get3A_19 = vector.load %arg4[%get3A_17, %get3A_18] : memref<1x128xf32, #tpu.memory_space<vmem>>, vector<1x128xf32>
    %add3A_20 = vector.broadcast %get3A_19 : vector<1x128xf32> to vector<400x128xf32>
    %add3A_21 = arith.addf %mul3A_16, %add3A_20 : vector<400x128xf32>
    %max3A = arith.constant 0.000000e+00 : f32
    %max3A_22 = vector.broadcast %max3A : f32 to vector<400x128xf32>
    %max3A_23 = arith.maximumf %add3A_21, %max3A_22 : vector<400x128xf32>
    %get3A_24 = arith.constant 0 : index
    %get3A_25 = arith.constant 0 : index
    %get3A_26 = vector.load %arg5[%get3A_24, %get3A_25] : memref<128x128xf32, #tpu.memory_space<vmem>>, vector<128x128xf32>
    %dot_general3A = arith.constant dense<0.000000e+00> : vector<400x128xf32>
    %dot_general3A_27 = tpu.matmul %max3A_23, %get3A_26, %dot_general3A {dimension_numbers = #tpu.dot_dimension_numbers<[1], [0], [0], [1], [0, 0, 1, 1], [], []>, precision = #tpu.contract_precision<fp32>, transpose_lhs_hint = false} : vector<400x128xf32>, vector<128x128xf32>, vector<400x128xf32> -> vector<400x128xf32>
    %mul3A_28 = vector.broadcast %get3A_1 : vector<400x1xf32> to vector<400x128xf32>
    %mul3A_29 = arith.mulf %dot_general3A_27, %mul3A_28 : vector<400x128xf32>
    %swap3A = arith.constant 0 : index
    %swap3A_30 = arith.constant 0 : index
    %swap3A_31 = vector.load %arg6[%swap3A, %swap3A_30] : memref<400x128xf32, #tpu.memory_space<vmem>>, vector<400x128xf32>
    tpu.vector_store %arg6[%swap3A, %swap3A_30], %mul3A_29 {strides = array<i32>} : memref<400x128xf32, #tpu.memory_space<vmem>>, vector<400x128xf32>,
    return
  }
  func.func @transform_0(%arg0: i32) -> (i32, i32) {
    %c0_i32 = arith.constant 0 : i32
    %c0_i32_0 = arith.constant 0 : i32
    return %arg0, %c0_i32 : i32, i32
  }
  func.func @transform_1(%arg0: i32) -> (i32, i32, i32) {
    %c0_i32 = arith.constant 0 : i32
    %c0_i32_0 = arith.constant 0 : i32
    %c0_i32_1 = arith.constant 0 : i32
    return %c0_i32, %arg0, %c0_i32_0 : i32, i32, i32
  }
  func.func @transform_2(%arg0: i32) -> (i32, i32) {
    %c0_i32 = arith.constant 0 : i32
    %c0_i32_0 = arith.constant 0 : i32
    return %arg0, %c0_i32 : i32, i32
  }
  func.func @transform_3(%arg0: i32) -> (i32, i32) {
    %c0_i32 = arith.constant 0 : i32
    %c0_i32_0 = arith.constant 0 : i32
    %c0_i32_1 = arith.constant 0 : i32
    return %c0_i32, %c0_i32_0 : i32, i32
  }
  func.func @transform_4(%arg0: i32) -> (i32, i32) {
    %c0_i32 = arith.constant 0 : i32
    %c0_i32_0 = arith.constant 0 : i32
    %c0_i32_1 = arith.constant 0 : i32
    return %c0_i32, %c0_i32_0 : i32, i32
  }
  func.func @transform_5(%arg0: i32) -> (i32, i32) {
    %c0_i32 = arith.constant 0 : i32
    %c0_i32_0 = arith.constant 0 : i32
    return %arg0, %c0_i32 : i32, i32
  }
}

module attributes {stable_mosaic.version = 14 : i64} {
  func.func @_tc3_body(%arg0: i32, %arg1: memref<400x1xf32, #tpu.memory_space<vmem>>, %arg2: memref<2x400x128xf32, #tpu.memory_space<vmem>>, %arg3: memref<400x128xf32, #tpu.memory_space<vmem>>, %arg4: memref<1x128xf32, #tpu.memory_space<vmem>>, %arg5: memref<400x128xf32, #tpu.memory_space<vmem>>) attributes {dimension_semantics = [#tpu.dimension_semantics<arbitrary>], iteration_bounds = array<i64: 25>, scalar_prefetch = 0 : i64, scratch_operands = 0 : i64, tpu.core_type = #tpu.core_type<tc>, window_params = [{transform_indices = @transform_0, window_bounds = array<i64: 400, 1>}, {transform_indices = @transform_1, window_bounds = array<i64: 2, 400, 128>}, {transform_indices = @transform_2, window_bounds = array<i64: 400, 128>}, {pipeline_mode = #tpu.pipeline_mode<synchronous>, transform_indices = @transform_3, window_bounds = array<i64: 1, 128>}, {transform_indices = @transform_4, window_bounds = array<i64: 400, 128>}]} {
    %get3A = arith.constant 0 : index
    %get3A_0 = arith.constant 0 : index
    %get3A_1 = arith.constant 0 : index
    %get3A_2 = vector.load %arg2[%get3A, %get3A_0, %get3A_1] : memref<2x400x128xf32, #tpu.memory_space<vmem>>, vector<1x400x128xf32>
    %get3A_3 = vector.shape_cast %get3A_2 : vector<1x400x128xf32> to vector<400x128xf32>
    %get3A_4 = arith.constant 1 : index
    %get3A_5 = arith.constant 0 : index
    %get3A_6 = arith.constant 0 : index
    %get3A_7 = vector.load %arg2[%get3A_4, %get3A_5, %get3A_6] : memref<2x400x128xf32, #tpu.memory_space<vmem>>, vector<1x400x128xf32>
    %get3A_8 = vector.shape_cast %get3A_7 : vector<1x400x128xf32> to vector<400x128xf32>
    %add3A = arith.addf %get3A_3, %get3A_8 : vector<400x128xf32>
    %get3A_9 = arith.constant 0 : index
    %get3A_10 = arith.constant 0 : index
    %get3A_11 = vector.load %arg3[%get3A_9, %get3A_10] : memref<400x128xf32, #tpu.memory_space<vmem>>, vector<400x128xf32>
    %add3A_12 = arith.addf %add3A, %get3A_11 : vector<400x128xf32>
    %get3A_13 = arith.constant 0 : index
    %get3A_14 = arith.constant 0 : index
    %get3A_15 = vector.load %arg1[%get3A_13, %get3A_14] : memref<400x1xf32, #tpu.memory_space<vmem>>, vector<400x1xf32>
    %mul3A = vector.broadcast %get3A_15 : vector<400x1xf32> to vector<400x128xf32>
    %mul3A_16 = arith.mulf %add3A_12, %mul3A : vector<400x128xf32>
    %get3A_17 = arith.constant 0 : index
    %get3A_18 = arith.constant 0 : index
    %get3A_19 = vector.load %arg4[%get3A_17, %get3A_18] : memref<1x128xf32, #tpu.memory_space<vmem>>, vector<1x128xf32>
    %add3A_20 = vector.broadcast %get3A_19 : vector<1x128xf32> to vector<400x128xf32>
    %add3A_21 = arith.addf %mul3A_16, %add3A_20 : vector<400x128xf32>
    %swap3A = arith.constant 0 : index
    %swap3A_22 = arith.constant 0 : index
    %swap3A_23 = vector.load %arg5[%swap3A, %swap3A_22] : memref<400x128xf32, #tpu.memory_space<vmem>>, vector<400x128xf32>
    tpu.vector_store %arg5[%swap3A, %swap3A_22], %add3A_21 {strides = array<i32>} : memref<400x128xf32, #tpu.memory_space<vmem>>, vector<400x128xf32>,
    return
  }
  func.func @transform_0(%arg0: i32) -> (i32, i32) {
    %c0_i32 = arith.constant 0 : i32
    %c0_i32_0 = arith.constant 0 : i32
    return %arg0, %c0_i32 : i32, i32
  }
  func.func @transform_1(%arg0: i32) -> (i32, i32, i32) {
    %c0_i32 = arith.constant 0 : i32
    %c0_i32_0 = arith.constant 0 : i32
    %c0_i32_1 = arith.constant 0 : i32
    return %c0_i32, %arg0, %c0_i32_0 : i32, i32, i32
  }
  func.func @transform_2(%arg0: i32) -> (i32, i32) {
    %c0_i32 = arith.constant 0 : i32
    %c0_i32_0 = arith.constant 0 : i32
    return %arg0, %c0_i32 : i32, i32
  }
  func.func @transform_3(%arg0: i32) -> (i32, i32) {
    %c0_i32 = arith.constant 0 : i32
    %c0_i32_0 = arith.constant 0 : i32
    %c0_i32_1 = arith.constant 0 : i32
    return %c0_i32, %c0_i32_0 : i32, i32
  }
  func.func @transform_4(%arg0: i32) -> (i32, i32) {
    %c0_i32 = arith.constant 0 : i32
    %c0_i32_0 = arith.constant 0 : i32
    return %arg0, %c0_i32 : i32, i32
  }
}

</mosaic_0001>

<sc_bundles>
// kernel: kernel.12.cloned.1.call-start
scs
__scs_entry_jumppad:
0x0: {  	(pc) =	sbr.rel $0x88, $3  }
0x1: {  	(tag) =	ssettag $0x0;
	lr =	simm.s32 $0x1  }
0x2: {  	[smem:$0x3F9B] =	sst lr;
	_ =	strace $0xD0000000  }
0x3: {  	_ = 	snop  }
0x4: {  	_ = 	snop  }
0x5: {  	_ = 	snop  }
0x6: {  	_ = 	snop  }
0x7: {  	_ = 	snop  }
__scs_overlays_trampoline_lowered:
0x8: {  	[smem:$0x3FAA] =	sst s0  }
0x9: {  	[smem:$0x3FAB] =	sst s1  }
0xa: {  	[smem:$0x3FAC] =	sst s2  }
0xb: {  	[smem:$0x3FAD] =	sst s3  }
0xc: {  	[smem:$0x3FAE] =	sst s4  }
0xd: {  	[smem:$0x3FAF] =	sst s5  }
0xe: {  	[smem:$0x3FB0] =	sst s6  }
0xf: {  	[smem:$0x3FB1] =	sst s7  }
0x10: {  	[smem:$0x3FB2] =	sst s8  }
0x11: {  	[smem:$0x3FB3] =	sst s9;
	s0 =	simm.s32 @!p0 $0x0  }
0x12: {  	s1 =	sld [smem:$0x3F99];
	s0 =	simm.s32 @p0 $0x1  }
0x13: {  	[smem:$0x3FB4] =	sst s0;
	s0 =	simm.s32 @!p1 $0x0  }
0x14: {  	s2 =	sld [smem:$0x3F98];
	s0 =	simm.s32 @p1 $0x1  }
0x15: {  	[smem:$0x3FB5] =	sst s0;
	s0 =	simm.s32 @!p2 $0x0  }
0x16: {  	s3 =	sld [smem:$0x3FDB];
	s0 =	simm.s32 @p2 $0x1  }
0x17: {  	s4 =	simm.s32 $0x1BF5;
	[smem:$0x3FB7] =	sst s0  }
0x18: {  	s0 =	sld [smem:$0x3F9A];
	_ =	swait.ge [sflag:s4], $0x0  }
0x19: {  	s7 =	sld [smem:$0x3F9B]  }
0x1a: {  	s8 =	sadd.s32 $0xFFFFE003, lr  }
0x1b: {  	s9 =	sadd.s32 $0xFFFFFEF7, lr;
	s5 =	simm.s32 $0xFFFFFFFF;
	p2 =	slt.u32 s8, $0xFFFFF086  }
0x1c: {  	p1 =	slt.u32 s9, $0xF7A;
	s5 =	simm.s32 @!p2 $0x0  }
0x1d: {  	s5 =	simm.s32 @p1 $0x1;
	p0 =	seq.s32 s7, s2  }
0x1e: {  	s7 =	smul.u32 @!p0 $0xF7A, s2;
	p2 =	seq.s32 @!p0 s5, $0x0  }
0x1f: {  	s9 =	smul.u32 $0xF7A, s1;
	s8 =	simm.s32 @!p0 $0x1BF5;
	p2 =	por !p2, p0  }
0x20: {  	[sflag:s8] =	ssyncset.s32 @!p0 $0xFFFFF086;
	s6 =	sadd.s32 @!p0 s3, s7;
	s7 =	simm.s32 @!p0 $0x108  }
0x21: {  	s3 =	sadd.s32 s3, s9;
	s6 =	sadd.s32 @!p0 $0x88, s6;
	s7 =	simm.s32 @p2 $0x1082  }
0x22: {  	[simem:s7], [sflag:s8] =	dma.local @!p0 [hbm:s6], $0xF7A  }
0x23: {  	s9 =	sor.u32 $0xD0000000, s2;
	s6 =	simm.s32 $0x108;
	_ =	swait.ge @!p0 [sflag:s8], $0x0  }
0x24: {  	s3 =	sadd.s32 $0x88, s3;
	s6 =	simm.s32 @!p1 $0x1082;
	[sflag:s4] =	ssyncset.s32 $0xFFFFF086  }
0x25: {  	[simem:s6], [sflag:s4] =	dma.local [hbm:s3], $0xF7A  }
0x26: {  	[smem:$0x3F9B] =	sst s1;
	(tag) =	ssettag s2;
	_ =	strace s9  }
0x27: {  	s1 =	sld [smem:$0x3FAB]  }
0x28: {  	s2 =	sld [smem:$0x3FAC]  }
0x29: {  	s4 =	sld [smem:$0x3FAE]  }
0x2a: {  	p0 =	seq.s32 s5, $0x0;
	s5 =	sld [smem:$0x3FAF]  }
0x2b: {  	s6 =	sld [smem:$0x3FB0]  }
0x2c: {  	s7 =	sld [smem:$0x3FB1]  }
0x2d: {  	s3 =	simm.s32 $0x108;
	s8 =	sld [smem:$0x3FB2]  }
0x2e: {  	s3 =	simm.s32 @!p0 $0x1082;
	s9 =	sld [smem:$0x3FB3]  }
0x2f: {  	lr =	sadd.s32 s0, s3;
	s0 =	sld [smem:$0x3FAA]  }
0x30: {  	s3 =	sld [smem:$0x3FAD]  }
0x31: {  	[smem:$0x3FB6] =	sst s10  }
0x32: {  	s10 =	sld [smem:$0x3FB4];
	_ =	sdelay $0x3  }
0x33: {  	p0 =	seq.s32 s10, $0x1;
	s10 =	sld [smem:$0x3FB6];
	_ =	sdelay $0x3  }
0x34: {  	[smem:$0x3FB6] =	sst s10  }
0x35: {  	s10 =	sld [smem:$0x3FB5];
	_ =	sdelay $0x3  }
0x36: {  	p1 =	seq.s32 s10, $0x1;
	s10 =	sld [smem:$0x3FB6];
	_ =	sdelay $0x3  }
0x37: {  	[smem:$0x3FB6] =	sst s10  }
0x38: {  	s10 =	sld [smem:$0x3FB7]  }
0x39: {  	_ = 	snop;
	(pc) =	sbr.ind lr, $3  }
0x3a: {  	_ = 	snop  }
0x3b: {  	_ = 	snop  }
0x3c: {  	p2 =	seq.s32 s10, $0x1;
	s10 =	sld [smem:$0x3FB6]  }
0x3d: {  	_ =	shalt  }
0x3e: {  	_ =	shalt  }
0x3f: {  	_ =	shalt  }
0x40: {  	_ =	shalt  }
0x41: {  	_ =	shalt  }
0x42: {  	_ =	shalt  }
0x43: {  	_ =	shalt  }
0x44: {  	_ =	shalt  }
0x45: {  	_ =	shalt  }
0x46: {  	_ =	shalt  }
0x47: {  	_ =	shalt  }
0x48: {  	_ =	shalt  }
0x49: {  	_ =	shalt  }
0x4a: {  	_ =	shalt  }
0x4b: {  	_ =	shalt  }
0x4c: {  	_ =	shalt  }
0x4d: {  	_ =	shalt  }
0x4e: {  	_ =	shalt  }
0x4f: {  	_ =	shalt  }
0x50: {  	_ =	shalt  }
0x51: {  	_ =	shalt  }
0x52: {  	_ =	shalt  }
0x53: {  	_ =	shalt  }
0x54: {  	_ =	shalt  }
0x55: {  	_ =	shalt  }
0x56: {  	_ =	shalt  }
0x57: {  	_ =	shalt  }
0x58: {  	_ =	shalt  }
0x59: {  	_ =	shalt  }
0x5a: {  	_ =	shalt  }
0x5b: {  	_ =	shalt  }
0x5c: {  	_ =	shalt  }
0x5d: {  	_ =	shalt  }
0x5e: {  	_ =	shalt  }
0x5f: {  	_ =	shalt  }
0x60: {  	_ =	shalt  }
0x61: {  	_ =	shalt  }
0x62: {  	_ =	shalt  }
0x63: {  	_ =	shalt  }
0x64: {  	_ =	shalt  }
0x65: {  	_ =	shalt  }
0x66: {  	_ =	shalt  }
0x67: {  	_ =	shalt  }
0x68: {  	_ =	shalt  }
0x69: {  	_ =	shalt  }
0x6a: {  	_ =	shalt  }
0x6b: {  	_ =	shalt  }
0x6c: {  	_ =	shalt  }
0x6d: {  	_ =	shalt  }
0x6e: {  	_ =	shalt  }
0x6f: {  	_ =	shalt  }
0x70: {  	_ =	shalt  }
0x71: {  	_ =	shalt  }
0x72: {  	_ =	shalt  }
0x73: {  	_ =	shalt  }
0x74: {  	_ =	shalt  }
0x75: {  	_ =	shalt  }
0x76: {  	_ =	shalt  }
0x77: {  	_ =	shalt  }
0x78: {  	_ =	shalt  }
0x79: {  	_ =	shalt  }
0x7a: {  	_ =	shalt  }
0x7b: {  	_ =	shalt  }
0x7c: {  	_ =	shalt  }
0x7d: {  	_ =	shalt  }
0x7e: {  	_ =	shalt  }
0x7f: {  	_ =	shalt  }
0x80: {  	_ =	shalt  }
0x81: {  	_ =	shalt  }
0x82: {  	_ =	shalt  }
0x83: {  	_ =	shalt  }
0x84: {  	_ =	shalt  }
0x85: {  	_ =	shalt  }
0x86: {  	_ =	shalt  }
0x87: {  	_ =	shalt  }
.Lfunc_end0:
.L_simem_size_0:
called_computation.1_lowered:
.L_overlay_start_0:
0x88: {  	s2 =	sld [smem:$0x3FD9]  }
0x89: {  	s3 =	sld [smem:$0x3FFE];
	_ =	sdelay $0x1  }
0x8a: {  	s1 =	srdreg.scid  }
0x8b: {  	s0 =	sand.u32 $0x1, s1  }
0x8c: {  	s17 =	sshll.u32 s0, $0xA;
	s2 =	sadd.s32 s3, s2  }
0x8d: {  	s2 =	sadd.s32 s2, s17  }
0x8e: {  	[smem:$0x3FC2] =	sst s2  }
0x8f: {  	_ = 	snop  }
0x90: {  	s2 =	sld [smem:$0x3FD0];
	(tm) =	ssettm $0x1  }
0x91: {  	s18 =	sld [smem:$0x3FFB];
	_ =	sdelay $0x3  }
0x92: {  	_ =	strace s18  }
0x93: {  	s3 =	sld [smem:$0x3FFC];
	_ =	sdelay $0x3  }
0x94: {  	_ =	strace s3  }
0x95: {  	s3 =	sld [smem:$0x3FFD];
	_ =	sdelay $0x3  }
0x96: {  	_ =	strace s3  }
0x97: {  	_ =	strace $0x8FFFFFFF  }
0x98: {  	s19 =	sld [smem:$0x3FDB];
	_ =	sdelay $0x1  }
0x99: {  	s4 =	simm.s32 $_scs_section_size  }
0x9a: {  	s5 =	simm.s32 $_size__tile_overlayer_lowered;
	s6 =	simm.s32 $_tile_overlayer_lowered  }
0x9b: {  	s22 =	simm.s32 $0x1BFF;
	s21 =	sshll.u32 s6, $0x1;
	s3 =	sadd.s32 s4, s19  }
0x9c: {  	s7 =	simm.s32 $0x0;
	s20 =	sshll.u32 s5, $0x1;
	s5 =	sadd.s32 s21, s3  }
0x9d: {  	[timem:s7], [sflag:s22] =	dma.local [hbm:s5], s20  }
0x9e: {  	_ =	swait.ge [sflag:s22], s20  }
0x9f: {  	s4 =	ssub.s32 $0x0, s20;
	[sflag:s22] =	ssyncset.done $0x0  }
0xa0: {  	[sflag:s22] =	ssyncadd.s32 s4;
	_ =	sdelay $0x1  }
0xa1: {  	s23 =	simm.s32 $0x1B8B  }
0xa2: {  	_ =	swait.ge [sflag:s23], $0x1  }
0xa3: {  	[sflag:s23] =	ssyncset.done $0x0  }
0xa4: {  	s25 =	simm.s32 $0x1B8E;
	s24 =	sld [smem:$0x3FFE];
	[sflag:s23] =	ssyncadd.s32 $0xFFFFFFFF  }
0xa5: {  	s26 =	simm.s32 $execute0_lowered;
	[smem:$0x3FD2] =	sst s25  }
0xa6: {  	s5 =	sshll.u32 s26, $0x1;
	_ =	strace $0x80000049;
	[dreg:$0x1] =	wrdreg $0xFFFFFFFF  }
0xa7: {  	s28 =	simm.s32 $_size_execute0_lowered;
	s3 =	sadd.s32 s3, s5;
	[dreg:$0x0] =	wrdreg $0x0  }
0xa8: {  	s5 =	sshll.u32 s28, $0x1;
	[dreg:$0x2] =	wrdreg s3  }
0xa9: {  	[dreg:$0x3] =	wrdreg s5  }
0xaa: {  	[dreg:$0x4] =	wrdreg $0xC0  }
0xab: {  	_ =	task [dreg:s7], $0x5FFFF  }
0xac: {  	[dreg:$0x1] =	wrdreg $0xFFFFFFFF  }
0xad: {  	[dreg:$0x0] =	wrdreg $0x60  }
0xae: {  	[dreg:$0x2] =	wrdreg s2  }
0xaf: {  	[dreg:$0x3] =	wrdreg s24  }
0xb0: {  	[dreg:$0x4] =	wrdreg $0x0  }
0xb1: {  	[dreg:$0x5] =	wrdreg $0x9  }
0xb2: {  	_ =	task.clear_ibuf [dreg:s7], $0x6FFFF;
	_ =	strace $0x90000049  }
0xb3: {  	s29 =	simm.s32 $0x9;
	_ =	strace $0x8000004B  }
0xb4: {  	_ =	swait.ge [sflag:s29], $0x1  }
0xb5: {  	[sflag:s29] =	ssyncadd.s32 $0xFFFFFFFF  }
0xb6: {  	_ =	strace $0x9000004B  }
0xb7: {  	_ =	sfence  }
0xb8: {  	s30 =	sld [smem:$0x0];
	_ =	sdelay $0x2  }
0xb9: {  	s31 =	sshll.u32 s1, $0xD;
	s1 =	sshrl.u32 s1, $0x2  }
0xba: {  	s3 =	sand.u32 $0x4000, s31;
	s1 =	sadd.s32 s1, s30  }
0xbb: {  	s0 =	sor.u32 s3, s0;
	s1 =	sshll.u32 s1, $0x11  }
0xbc: {  	s0 =	sor.u32 s1, s0  }
0xbd: {  	s0 =	sadd.s32 $0x8F2B, s0  }
0xbe: {  	[sflag:s0] =	ssyncadd.remote.s32 $0x1  }
0xbf: {  	_ =	sfence.sel $0xFFFF  }
0xc0: {  	[dreg:$0x0] =	wrdreg $0xFFFFFFFF;
	(pc) =	sbr.abs _section_cstart, $3  }
0xc1: {  	[dreg:$0x1] =	wrdreg $0xFFFFFFFF  }
0xc2: {  	_ =	task.clear_ibuf [dreg:s7], $0x2FFFF;
	_ =	strace $0x9FFFFFFF  }
0xc3: {  	(tm) =	ssettm $0x7FFFFFFF  }
tec
execute0_lowered:
.L_overlay_start_1:
0x0: {  	(tag) =	ssettag $0x1  }
0x1: {  	s2 =	srdreg.scid;
	s1 =	rddreg [dreg:$0x0]  }
0x2: {  	s0 =	stileid.u32;
	s6 =	rddreg [dreg:$0x1]  }
0x3: {  	s3 =	rddreg [dreg:$0x2];
	s4 =	simm.s32 $0x0;
	s14 =	simm.s32 $0x14000  }
0x4: {  	s15 =	simm.s32 $0x80;
	s16 =	simm.s32 $0x16800;
	s17 =	simm.s32 $0x1  }
0x5: {  	s18 =	simm.s32 $0x0;
	s5 =	sand.u32 $0x1, s2;
	s8 =	smul.u32 $0x2800, s0  }
0x6: {  	s25 =	sshll.u32 s0, $0x1;
	[smem:$0x7FF] =	sst s4;
	s28 =	smul.u32 $0x50000, s0  }
0x7: {  	s31 =	sshll.u32 s0, $0x6;
	s2 =	sor.u32 s5, s25;
	s9 =	smul.u32 $0x28000, s5  }
0x8: {  	s5 =	ssub.s32 $0x2, s5;
	s7 =	smul.u32 $0x500, s2;
	s2 =	rddreg [dreg:$0x3]  }
0x9: {  	_ =	strace $0x8000004A;
	s29 =	sshrl.u32 s5, $0x1;
	s30 =	sshrl.u32 s28, $0x2  }
0xa: {  	s26 =	sadd.s32 s8, s9;
	s8 =	sadd.s32 s8, s6;
	s12 =	ssub.s32 s5, s29  }
0xb: {  	s13 =	sadd.s32 s30, s3;
	s10 =	sadd.s32 s7, s6;
	s11 =	sadd.s32 s26, s6  }
0xc: {  	s5 =	sadd.s32 $0x16200, s8;
	s6 =	sor.u32 $0x1C02, s31;
	s7 =	sadd.s32 $0x2200, s10  }
0xd: {  	s8 =	sadd.s32 $0xC200, s10;
	s9 =	sadd.s32 $0x3E200, s11;
	s10 =	smax.u32 s12, $0x1  }
0xe: {  	s11 =	sshrl.u32 s13, $0x3;
	s12 =	simm.s32 $0x2;
	s13 =	simm.s32 $0x1A800  }
.LBB2_1:
0xf: {  	[spmem:s11], [sflag:s6] =	dma.local [hbm:s5], $0x2800  }
0x10: {  	_ =	swait.ge [sflag:s12], $0x2800  }
0x11: {  	[sflag:s12] =	ssyncset.done $0x0  }
0x12: {  	[sflag:s12] =	ssyncadd.s32 $0xFFFFD800  }
0x13: {  	[tilespmem:s13], [sflag:$0x2] =	stream.linear.gather [hbm4b:s7+s4], $0x2800, $0x38;
	[tilespmem:$0x1D000] =	vst v63  }
0x14: {  	_ =	swait.ge [sflag:s12], $0x2800  }
0x15: {  	[sflag:s12] =	ssyncset.done $0x0  }
0x16: {  	[sflag:s12] =	ssyncadd.s32 $0xFFFFD800  }
0x17: {  	[tilespmem:s14], [sflag:$0x2] =	stream.linear.gather [hbm4b:s8+s4], $0x2800, $0x38;
	[tilespmem:$0x1D000] =	vst v63  }
0x18: {  	_ =	swait.ge [sflag:s12], $0x2800  }
0x19: {  	[sflag:s12] =	ssyncset.done $0x0  }
0x1a: {  	[sflag:s12] =	ssyncadd.s32 $0xFFFFD800  }
0x1b: {  	s19 =	simm.s32 $0x1A800;
	[bflag:$0x0] =	sbarrier.arrive $0xFFFF  }
0x1c: {  	[tilespmem:s16], [sflag:$0x1] =	stream.indirect.gather [hbm4b:s1+s15], $0x80, s19, s15, $0xb8;
	[tilespmem:$0x1D000] =	vst v63  }
0x1d: {  	_ =	swait.ge [sflag:s17], $0x4000  }
0x1e: {  	[sflag:s17] =	ssyncset.done $0x0  }
0x1f: {  	s31 =	simm.s32 $0x14000;
	[sflag:s17] =	ssyncadd.s32 $0xFFFFC000  }
0x20: {  	[spmem:s3] =	stream.indirect.scatter.add.f32 [tilespmem:s16], [sflag:$0x2], $0x80, s31, s15, $0xb8;
	[tilespmem:$0x1D000] =	vst v63  }
0x21: {  	_ =	swait.ge [sflag:s12], $0x4000  }
0x22: {  	s20 =	simm.s32 $0x400;
	s19 =	simm.s32 $0x80;
	[sflag:s12] =	ssyncset.done $0x0  }
.LBB2_2:
0x23: {  	s21 =	sadd.s32 $0x1A800, s19  }
0x24: {  	[sflag:s12] =	ssyncadd.s32 $0xFFFFC000;
	s22 =	smov.u32 s20;
	s23 =	sadd.s32 $0x200, s20  }
0x25: {  	[tilespmem:s16], [sflag:$0x1] =	stream.indirect.gather [hbm4b:s1+s15], $0x80, s21, s15, $0xb8;
	[tilespmem:$0x1D000] =	vst v63  }
0x26: {  	p0 =	sne.s32 s20, $0x9E00;
	_ =	swait.ge [sflag:s17], $0x4000  }
.Ltmp0:
0x27: {  	[sflag:s17] =	ssyncset.done $0x0;
	(pc) =	sbr.rel @p0 .LBB2_2-.Ltmp0, $4  }
0x28: {  	s19 =	sadd.s32 $0x14000, s19;
	[sflag:s17] =	ssyncadd.s32 $0xFFFFC000  }
0x29: {  	[spmem:s3] =	stream.indirect.scatter.add.f32 [tilespmem:s16], [sflag:$0x2], $0x80, s19, s15, $0xb8;
	[tilespmem:$0x1D000] =	vst v63  }
0x2a: {  	_ =	swait.ge [sflag:s12], $0x4000  }
0x2b: {  	s20 =	smov.u32 s23;
	s19 =	sshra.s32 s22, $0x2;
	[sflag:s12] =	ssyncset.done $0x0  }
0x2c: {  	s20 =	sadd.s32 $0x1A800, s19;
	[sflag:s12] =	ssyncadd.s32 $0xFFFFC000  }
0x2d: {  	[tilespmem:s16], [sflag:$0x1] =	stream.indirect.gather [hbm4b:s1+s15], $0x80, s20, s15, $0xb8;
	[tilespmem:$0x1D000] =	vst v63  }
0x2e: {  	_ =	swait.ge [sflag:s17], $0x4000  }
0x2f: {  	[sflag:s17] =	ssyncset.done $0x0  }
0x30: {  	s31 =	sadd.s32 $0x14000, s19;
	[sflag:s17] =	ssyncadd.s32 $0xFFFFC000  }
0x31: {  	[spmem:s3] =	stream.indirect.scatter.add.f32 [tilespmem:s16], [sflag:$0x2], $0x80, s31, s15, $0xb8;
	[tilespmem:$0x1D000] =	vst v63  }
0x32: {  	_ =	swait.ge [sflag:s12], $0x4000  }
0x33: {  	s18 =	sadd.s32 $0x1, s18;
	[sflag:s12] =	ssyncset.done $0x0  }
0x34: {  	p0 =	sne.s32 s18, s10;
	[sflag:s12] =	ssyncadd.s32 $0xFFFFC000  }
.Ltmp1:
0x35: {  	[bflag:$0x0] =	sbarrier.arrive $0xFFFF;
	(pc) =	sbr.rel @p0 .LBB2_1-.Ltmp1, $4  }
0x36: {  	[hbm:s9], [sflag:s6] =	dma.local [spmem:s11], $0x2800  }
0x37: {  	_ =	swait.ge [sflag:s12], $0x2800  }
0x38: {  	[sflag:s12] =	ssyncset.done $0x0  }
0x39: {  	[sflag:s12] =	ssyncadd.s32 $0xFFFFD800  }
0x3a: {  	_ =	sfence.sel $0x180000  }
0x3b: {  	[bflag:$0x0] =	sbarrier.arrive $0xFFFF  }
0x3c: {  	p0 =	sne.s32 s0, $0x0;
	_ =	strace $0x9000004A  }
0x3d: {  	s0 =	sadd.s32 @!p0 $0x100000, s2;
	[bflag:$0x2] =	sbarrier.arrive $0xFFFF  }
0x3e: {  	[sflag:s0] =	ssyncadd.tile.s32 @!p0 $0x1;
	_ =	shalt  }
.Lfunc_end2:
_tile_overlayer_lowered:
.L_overlay_start_2:
0x3f: {  	(tag) =	ssettag $0x2  }
0x40: {  	s0 =	rddreg [dreg:$0x0];
	s2 =	stileid.u32  }
0x41: {  	s1 =	rddreg [dreg:$0x1];
	p0 =	sne.s32 s2, $0x0  }
0x42: {  	s3 =	rddreg [dreg:$0x2];
	[bflag:$0x3] =	sbarrier.arrive $0xFFFF;
	s2 =	simm.s32 @!p0 $0x1C02  }
0x43: {  	[timem:s3], [sflag:s2] =	dma.local @!p0 [hbm:s0], s1  }
0x44: {  	s0 =	simm.s32 @!p0 $0x2  }
0x45: {  	_ =	swait.ge @!p0 [sflag:s0], s1  }
0x46: {  	s1 =	ssub.s32 @!p0 $0x0, s1;
	[sflag:s0] =	ssyncset.done @!p0 $0x0  }
0x47: {  	[sflag:s0] =	ssyncadd.s32 @!p0 s1  }
0x48: {  	[bflag:$0x3] =	sbarrier.arrive $0xFFFF  }
0x49: {  	_ =	shalt  }

// kernel: kernel.15.cloned.1.call-start
scs
__scs_entry_jumppad:
0x0: {  	(pc) =	sbr.rel $0x88, $3  }
0x1: {  	(tag) =	ssettag $0x0;
	lr =	simm.s32 $0x1  }
0x2: {  	[smem:$0x3F9B] =	sst lr;
	_ =	strace $0xD0000000  }
0x3: {  	_ = 	snop  }
0x4: {  	_ = 	snop  }
0x5: {  	_ = 	snop  }
0x6: {  	_ = 	snop  }
0x7: {  	_ = 	snop  }
__scs_overlays_trampoline_lowered:
0x8: {  	[smem:$0x3FAA] =	sst s0  }
0x9: {  	[smem:$0x3FAB] =	sst s1  }
0xa: {  	[smem:$0x3FAC] =	sst s2  }
0xb: {  	[smem:$0x3FAD] =	sst s3  }
0xc: {  	[smem:$0x3FAE] =	sst s4  }
0xd: {  	[smem:$0x3FAF] =	sst s5  }
0xe: {  	[smem:$0x3FB0] =	sst s6  }
0xf: {  	[smem:$0x3FB1] =	sst s7  }
0x10: {  	[smem:$0x3FB2] =	sst s8  }
0x11: {  	[smem:$0x3FB3] =	sst s9;
	s0 =	simm.s32 @!p0 $0x0  }
0x12: {  	s1 =	sld [smem:$0x3F99];
	s0 =	simm.s32 @p0 $0x1  }
0x13: {  	[smem:$0x3FB4] =	sst s0;
	s0 =	simm.s32 @!p1 $0x0  }
0x14: {  	s2 =	sld [smem:$0x3F98];
	s0 =	simm.s32 @p1 $0x1  }
0x15: {  	[smem:$0x3FB5] =	sst s0;
	s0 =	simm.s32 @!p2 $0x0  }
0x16: {  	s3 =	sld [smem:$0x3FDB];
	s0 =	simm.s32 @p2 $0x1  }
0x17: {  	s4 =	simm.s32 $0x1BF5;
	[smem:$0x3FB7] =	sst s0  }
0x18: {  	s0 =	sld [smem:$0x3F9A];
	_ =	swait.ge [sflag:s4], $0x0  }
0x19: {  	s7 =	sld [smem:$0x3F9B]  }
0x1a: {  	s8 =	sadd.s32 $0xFFFFE003, lr  }
0x1b: {  	s9 =	sadd.s32 $0xFFFFFEF7, lr;
	s5 =	simm.s32 $0xFFFFFFFF;
	p2 =	slt.u32 s8, $0xFFFFF086  }
0x1c: {  	p1 =	slt.u32 s9, $0xF7A;
	s5 =	simm.s32 @!p2 $0x0  }
0x1d: {  	s5 =	simm.s32 @p1 $0x1;
	p0 =	seq.s32 s7, s2  }
0x1e: {  	s7 =	smul.u32 @!p0 $0xF7A, s2;
	p2 =	seq.s32 @!p0 s5, $0x0  }
0x1f: {  	s9 =	smul.u32 $0xF7A, s1;
	s8 =	simm.s32 @!p0 $0x1BF5;
	p2 =	por !p2, p0  }
0x20: {  	[sflag:s8] =	ssyncset.s32 @!p0 $0xFFFFF086;
	s6 =	sadd.s32 @!p0 s3, s7;
	s7 =	simm.s32 @!p0 $0x108  }
0x21: {  	s3 =	sadd.s32 s3, s9;
	s6 =	sadd.s32 @!p0 $0x88, s6;
	s7 =	simm.s32 @p2 $0x1082  }
0x22: {  	[simem:s7], [sflag:s8] =	dma.local @!p0 [hbm:s6], $0xF7A  }
0x23: {  	s9 =	sor.u32 $0xD0000000, s2;
	s6 =	simm.s32 $0x108;
	_ =	swait.ge @!p0 [sflag:s8], $0x0  }
0x24: {  	s3 =	sadd.s32 $0x88, s3;
	s6 =	simm.s32 @!p1 $0x1082;
	[sflag:s4] =	ssyncset.s32 $0xFFFFF086  }
0x25: {  	[simem:s6], [sflag:s4] =	dma.local [hbm:s3], $0xF7A  }
0x26: {  	[smem:$0x3F9B] =	sst s1;
	(tag) =	ssettag s2;
	_ =	strace s9  }
0x27: {  	s1 =	sld [smem:$0x3FAB]  }
0x28: {  	s2 =	sld [smem:$0x3FAC]  }
0x29: {  	s4 =	sld [smem:$0x3FAE]  }
0x2a: {  	p0 =	seq.s32 s5, $0x0;
	s5 =	sld [smem:$0x3FAF]  }
0x2b: {  	s6 =	sld [smem:$0x3FB0]  }
0x2c: {  	s7 =	sld [smem:$0x3FB1]  }
0x2d: {  	s3 =	simm.s32 $0x108;
	s8 =	sld [smem:$0x3FB2]  }
0x2e: {  	s3 =	simm.s32 @!p0 $0x1082;
	s9 =	sld [smem:$0x3FB3]  }
0x2f: {  	lr =	sadd.s32 s0, s3;
	s0 =	sld [smem:$0x3FAA]  }
0x30: {  	s3 =	sld [smem:$0x3FAD]  }
0x31: {  	[smem:$0x3FB6] =	sst s10  }
0x32: {  	s10 =	sld [smem:$0x3FB4];
	_ =	sdelay $0x3  }
0x33: {  	p0 =	seq.s32 s10, $0x1;
	s10 =	sld [smem:$0x3FB6];
	_ =	sdelay $0x3  }
0x34: {  	[smem:$0x3FB6] =	sst s10  }
0x35: {  	s10 =	sld [smem:$0x3FB5];
	_ =	sdelay $0x3  }
0x36: {  	p1 =	seq.s32 s10, $0x1;
	s10 =	sld [smem:$0x3FB6];
	_ =	sdelay $0x3  }
0x37: {  	[smem:$0x3FB6] =	sst s10  }
0x38: {  	s10 =	sld [smem:$0x3FB7]  }
0x39: {  	_ = 	snop;
	(pc) =	sbr.ind lr, $3  }
0x3a: {  	_ = 	snop  }
0x3b: {  	_ = 	snop  }
0x3c: {  	p2 =	seq.s32 s10, $0x1;
	s10 =	sld [smem:$0x3FB6]  }
0x3d: {  	_ =	shalt  }
0x3e: {  	_ =	shalt  }
0x3f: {  	_ =	shalt  }
0x40: {  	_ =	shalt  }
0x41: {  	_ =	shalt  }
0x42: {  	_ =	shalt  }
0x43: {  	_ =	shalt  }
0x44: {  	_ =	shalt  }
0x45: {  	_ =	shalt  }
0x46: {  	_ =	shalt  }
0x47: {  	_ =	shalt  }
0x48: {  	_ =	shalt  }
0x49: {  	_ =	shalt  }
0x4a: {  	_ =	shalt  }
0x4b: {  	_ =	shalt  }
0x4c: {  	_ =	shalt  }
0x4d: {  	_ =	shalt  }
0x4e: {  	_ =	shalt  }
0x4f: {  	_ =	shalt  }
0x50: {  	_ =	shalt  }
0x51: {  	_ =	shalt  }
0x52: {  	_ =	shalt  }
0x53: {  	_ =	shalt  }
0x54: {  	_ =	shalt  }
0x55: {  	_ =	shalt  }
0x56: {  	_ =	shalt  }
0x57: {  	_ =	shalt  }
0x58: {  	_ =	shalt  }
0x59: {  	_ =	shalt  }
0x5a: {  	_ =	shalt  }
0x5b: {  	_ =	shalt  }
0x5c: {  	_ =	shalt  }
0x5d: {  	_ =	shalt  }
0x5e: {  	_ =	shalt  }
0x5f: {  	_ =	shalt  }
0x60: {  	_ =	shalt  }
0x61: {  	_ =	shalt  }
0x62: {  	_ =	shalt  }
0x63: {  	_ =	shalt  }
0x64: {  	_ =	shalt  }
0x65: {  	_ =	shalt  }
0x66: {  	_ =	shalt  }
0x67: {  	_ =	shalt  }
0x68: {  	_ =	shalt  }
0x69: {  	_ =	shalt  }
0x6a: {  	_ =	shalt  }
0x6b: {  	_ =	shalt  }
0x6c: {  	_ =	shalt  }
0x6d: {  	_ =	shalt  }
0x6e: {  	_ =	shalt  }
0x6f: {  	_ =	shalt  }
0x70: {  	_ =	shalt  }
0x71: {  	_ =	shalt  }
0x72: {  	_ =	shalt  }
0x73: {  	_ =	shalt  }
0x74: {  	_ =	shalt  }
0x75: {  	_ =	shalt  }
0x76: {  	_ =	shalt  }
0x77: {  	_ =	shalt  }
0x78: {  	_ =	shalt  }
0x79: {  	_ =	shalt  }
0x7a: {  	_ =	shalt  }
0x7b: {  	_ =	shalt  }
0x7c: {  	_ =	shalt  }
0x7d: {  	_ =	shalt  }
0x7e: {  	_ =	shalt  }
0x7f: {  	_ =	shalt  }
0x80: {  	_ =	shalt  }
0x81: {  	_ =	shalt  }
0x82: {  	_ =	shalt  }
0x83: {  	_ =	shalt  }
0x84: {  	_ =	shalt  }
0x85: {  	_ =	shalt  }
0x86: {  	_ =	shalt  }
0x87: {  	_ =	shalt  }
.Lfunc_end0:
.L_simem_size_0:
called_computation.2_lowered:
.L_overlay_start_0:
0x88: {  	s2 =	sld [smem:$0x3FD9]  }
0x89: {  	s3 =	sld [smem:$0x3FFE];
	_ =	sdelay $0x1  }
0x8a: {  	s1 =	srdreg.scid  }
0x8b: {  	s0 =	sand.u32 $0x1, s1  }
0x8c: {  	s17 =	sshll.u32 s0, $0xA;
	s2 =	sadd.s32 s3, s2  }
0x8d: {  	s2 =	sadd.s32 s2, s17  }
0x8e: {  	[smem:$0x3FC2] =	sst s2  }
0x8f: {  	_ = 	snop  }
0x90: {  	s2 =	sld [smem:$0x3FD0];
	(tm) =	ssettm $0x1  }
0x91: {  	s18 =	sld [smem:$0x3FFB];
	_ =	sdelay $0x3  }
0x92: {  	_ =	strace s18  }
0x93: {  	s3 =	sld [smem:$0x3FFC];
	_ =	sdelay $0x3  }
0x94: {  	_ =	strace s3  }
0x95: {  	s3 =	sld [smem:$0x3FFD];
	_ =	sdelay $0x3  }
0x96: {  	_ =	strace s3  }
0x97: {  	_ =	strace $0x8FFFFFFF  }
0x98: {  	s19 =	sld [smem:$0x3FDB];
	_ =	sdelay $0x1  }
0x99: {  	s4 =	simm.s32 $_scs_section_size  }
0x9a: {  	s5 =	simm.s32 $_size__tile_overlayer_lowered;
	s6 =	simm.s32 $_tile_overlayer_lowered  }
0x9b: {  	s22 =	simm.s32 $0x1BFF;
	s21 =	sshll.u32 s6, $0x1;
	s3 =	sadd.s32 s4, s19  }
0x9c: {  	s7 =	simm.s32 $0x0;
	s20 =	sshll.u32 s5, $0x1;
	s5 =	sadd.s32 s21, s3  }
0x9d: {  	[timem:s7], [sflag:s22] =	dma.local [hbm:s5], s20  }
0x9e: {  	_ =	swait.ge [sflag:s22], s20  }
0x9f: {  	s4 =	ssub.s32 $0x0, s20;
	[sflag:s22] =	ssyncset.done $0x0  }
0xa0: {  	[sflag:s22] =	ssyncadd.s32 s4;
	_ =	sdelay $0x1  }
0xa1: {  	s23 =	simm.s32 $0x1B8B  }
0xa2: {  	_ =	swait.ge [sflag:s23], $0x1  }
0xa3: {  	[sflag:s23] =	ssyncset.done $0x0  }
0xa4: {  	s25 =	simm.s32 $0x1B8E;
	s24 =	sld [smem:$0x3FFE];
	[sflag:s23] =	ssyncadd.s32 $0xFFFFFFFF  }
0xa5: {  	s26 =	simm.s32 $execute0_lowered;
	[smem:$0x3FD2] =	sst s25  }
0xa6: {  	s5 =	sshll.u32 s26, $0x1;
	_ =	strace $0x8000004C;
	[dreg:$0x1] =	wrdreg $0xFFFFFFFF  }
0xa7: {  	s28 =	simm.s32 $_size_execute0_lowered;
	s3 =	sadd.s32 s3, s5;
	[dreg:$0x0] =	wrdreg $0x0  }
0xa8: {  	s5 =	sshll.u32 s28, $0x1;
	[dreg:$0x2] =	wrdreg s3  }
0xa9: {  	[dreg:$0x3] =	wrdreg s5  }
0xaa: {  	[dreg:$0x4] =	wrdreg $0xC0  }
0xab: {  	_ =	task [dreg:s7], $0x5FFFF  }
0xac: {  	[dreg:$0x1] =	wrdreg $0xFFFFFFFF  }
0xad: {  	[dreg:$0x0] =	wrdreg $0x60  }
0xae: {  	[dreg:$0x2] =	wrdreg s2  }
0xaf: {  	[dreg:$0x3] =	wrdreg s24  }
0xb0: {  	[dreg:$0x4] =	wrdreg $0x0  }
0xb1: {  	[dreg:$0x5] =	wrdreg $0x9  }
0xb2: {  	_ =	task.clear_ibuf [dreg:s7], $0x6FFFF;
	_ =	strace $0x9000004C  }
0xb3: {  	s29 =	simm.s32 $0x9;
	_ =	strace $0x8000004E  }
0xb4: {  	_ =	swait.ge [sflag:s29], $0x1  }
0xb5: {  	[sflag:s29] =	ssyncadd.s32 $0xFFFFFFFF  }
0xb6: {  	_ =	strace $0x9000004E  }
0xb7: {  	_ =	sfence  }
0xb8: {  	s30 =	sld [smem:$0x0];
	_ =	sdelay $0x2  }
0xb9: {  	s31 =	sshll.u32 s1, $0xD;
	s1 =	sshrl.u32 s1, $0x2  }
0xba: {  	s3 =	sand.u32 $0x4000, s31;
	s1 =	sadd.s32 s1, s30  }
0xbb: {  	s0 =	sor.u32 s3, s0;
	s1 =	sshll.u32 s1, $0x11  }
0xbc: {  	s0 =	sor.u32 s1, s0  }
0xbd: {  	s0 =	sadd.s32 $0x8F2B, s0  }
0xbe: {  	[sflag:s0] =	ssyncadd.remote.s32 $0x1  }
0xbf: {  	_ =	sfence.sel $0xFFFF  }
0xc0: {  	[dreg:$0x0] =	wrdreg $0xFFFFFFFF;
	(pc) =	sbr.abs _section_cstart, $3  }
0xc1: {  	[dreg:$0x1] =	wrdreg $0xFFFFFFFF  }
0xc2: {  	_ =	task.clear_ibuf [dreg:s7], $0x2FFFF;
	_ =	strace $0x9FFFFFFF  }
0xc3: {  	(tm) =	ssettm $0x7FFFFFFF  }
tec
execute0_lowered:
.L_overlay_start_1:
0x0: {  	(tag) =	ssettag $0x1  }
0x1: {  	s2 =	srdreg.scid;
	s1 =	rddreg [dreg:$0x0]  }
0x2: {  	s0 =	stileid.u32;
	s6 =	rddreg [dreg:$0x1]  }
0x3: {  	s3 =	rddreg [dreg:$0x2];
	s4 =	simm.s32 $0x0;
	s14 =	simm.s32 $0x14000  }
0x4: {  	s15 =	simm.s32 $0x80;
	s16 =	simm.s32 $0x16800;
	s17 =	simm.s32 $0x1  }
0x5: {  	s18 =	simm.s32 $0x0;
	s5 =	sand.u32 $0x1, s2;
	s8 =	smul.u32 $0x2800, s0  }
0x6: {  	s25 =	sshll.u32 s0, $0x1;
	[smem:$0x7FF] =	sst s4;
	s28 =	smul.u32 $0x50000, s0  }
0x7: {  	s31 =	sshll.u32 s0, $0x6;
	s2 =	sor.u32 s5, s25;
	s9 =	smul.u32 $0x28000, s5  }
0x8: {  	s5 =	ssub.s32 $0x2, s5;
	s7 =	smul.u32 $0x500, s2;
	s2 =	rddreg [dreg:$0x3]  }
0x9: {  	_ =	strace $0x8000004D;
	s29 =	sshrl.u32 s5, $0x1;
	s30 =	sshrl.u32 s28, $0x2  }
0xa: {  	s26 =	sadd.s32 s8, s9;
	s8 =	sadd.s32 s8, s6;
	s12 =	ssub.s32 s5, s29  }
0xb: {  	s13 =	sadd.s32 s30, s3;
	s10 =	sadd.s32 s7, s6;
	s11 =	sadd.s32 s26, s6  }
0xc: {  	s5 =	sadd.s32 $0x16200, s8;
	s6 =	sor.u32 $0x1C02, s31;
	s7 =	sadd.s32 $0x2200, s10  }
0xd: {  	s8 =	sadd.s32 $0xC200, s10;
	s9 =	sadd.s32 $0x3E200, s11;
	s10 =	smax.u32 s12, $0x1  }
0xe: {  	s11 =	sshrl.u32 s13, $0x3;
	s12 =	simm.s32 $0x2;
	s13 =	simm.s32 $0x1A800  }
.LBB2_1:
0xf: {  	[spmem:s11], [sflag:s6] =	dma.local [hbm:s5], $0x2800  }
0x10: {  	_ =	swait.ge [sflag:s12], $0x2800  }
0x11: {  	[sflag:s12] =	ssyncset.done $0x0  }
0x12: {  	[sflag:s12] =	ssyncadd.s32 $0xFFFFD800  }
0x13: {  	[tilespmem:s13], [sflag:$0x2] =	stream.linear.gather [hbm4b:s7+s4], $0x2800, $0x38;
	[tilespmem:$0x1D000] =	vst v63  }
0x14: {  	_ =	swait.ge [sflag:s12], $0x2800  }
0x15: {  	[sflag:s12] =	ssyncset.done $0x0  }
0x16: {  	[sflag:s12] =	ssyncadd.s32 $0xFFFFD800  }
0x17: {  	[tilespmem:s14], [sflag:$0x2] =	stream.linear.gather [hbm4b:s8+s4], $0x2800, $0x38;
	[tilespmem:$0x1D000] =	vst v63  }
0x18: {  	_ =	swait.ge [sflag:s12], $0x2800  }
0x19: {  	[sflag:s12] =	ssyncset.done $0x0  }
0x1a: {  	[sflag:s12] =	ssyncadd.s32 $0xFFFFD800  }
0x1b: {  	s19 =	simm.s32 $0x1A800;
	[bflag:$0x0] =	sbarrier.arrive $0xFFFF  }
0x1c: {  	[tilespmem:s16], [sflag:$0x1] =	stream.indirect.gather [hbm4b:s1+s15], $0x80, s19, s15, $0xb8;
	[tilespmem:$0x1D000] =	vst v63  }
0x1d: {  	_ =	swait.ge [sflag:s17], $0x4000  }
0x1e: {  	[sflag:s17] =	ssyncset.done $0x0  }
0x1f: {  	s31 =	simm.s32 $0x14000;
	[sflag:s17] =	ssyncadd.s32 $0xFFFFC000  }
0x20: {  	[spmem:s3] =	stream.indirect.scatter.add.f32 [tilespmem:s16], [sflag:$0x2], $0x80, s31, s15, $0xb8;
	[tilespmem:$0x1D000] =	vst v63  }
0x21: {  	_ =	swait.ge [sflag:s12], $0x4000  }
0x22: {  	s20 =	simm.s32 $0x400;
	s19 =	simm.s32 $0x80;
	[sflag:s12] =	ssyncset.done $0x0  }
.LBB2_2:
0x23: {  	s21 =	sadd.s32 $0x1A800, s19  }
0x24: {  	[sflag:s12] =	ssyncadd.s32 $0xFFFFC000;
	s22 =	smov.u32 s20;
	s23 =	sadd.s32 $0x200, s20  }
0x25: {  	[tilespmem:s16], [sflag:$0x1] =	stream.indirect.gather [hbm4b:s1+s15], $0x80, s21, s15, $0xb8;
	[tilespmem:$0x1D000] =	vst v63  }
0x26: {  	p0 =	sne.s32 s20, $0x9E00;
	_ =	swait.ge [sflag:s17], $0x4000  }
.Ltmp0:
0x27: {  	[sflag:s17] =	ssyncset.done $0x0;
	(pc) =	sbr.rel @p0 .LBB2_2-.Ltmp0, $4  }
0x28: {  	s19 =	sadd.s32 $0x14000, s19;
	[sflag:s17] =	ssyncadd.s32 $0xFFFFC000  }
0x29: {  	[spmem:s3] =	stream.indirect.scatter.add.f32 [tilespmem:s16], [sflag:$0x2], $0x80, s19, s15, $0xb8;
	[tilespmem:$0x1D000] =	vst v63  }
0x2a: {  	_ =	swait.ge [sflag:s12], $0x4000  }
0x2b: {  	s20 =	smov.u32 s23;
	s19 =	sshra.s32 s22, $0x2;
	[sflag:s12] =	ssyncset.done $0x0  }
0x2c: {  	s20 =	sadd.s32 $0x1A800, s19;
	[sflag:s12] =	ssyncadd.s32 $0xFFFFC000  }
0x2d: {  	[tilespmem:s16], [sflag:$0x1] =	stream.indirect.gather [hbm4b:s1+s15], $0x80, s20, s15, $0xb8;
	[tilespmem:$0x1D000] =	vst v63  }
0x2e: {  	_ =	swait.ge [sflag:s17], $0x4000  }
0x2f: {  	[sflag:s17] =	ssyncset.done $0x0  }
0x30: {  	s31 =	sadd.s32 $0x14000, s19;
	[sflag:s17] =	ssyncadd.s32 $0xFFFFC000  }
0x31: {  	[spmem:s3] =	stream.indirect.scatter.add.f32 [tilespmem:s16], [sflag:$0x2], $0x80, s31, s15, $0xb8;
	[tilespmem:$0x1D000] =	vst v63  }
0x32: {  	_ =	swait.ge [sflag:s12], $0x4000  }
0x33: {  	s18 =	sadd.s32 $0x1, s18;
	[sflag:s12] =	ssyncset.done $0x0  }
0x34: {  	p0 =	sne.s32 s18, s10;
	[sflag:s12] =	ssyncadd.s32 $0xFFFFC000  }
.Ltmp1:
0x35: {  	[bflag:$0x0] =	sbarrier.arrive $0xFFFF;
	(pc) =	sbr.rel @p0 .LBB2_1-.Ltmp1, $4  }
0x36: {  	[hbm:s9], [sflag:s6] =	dma.local [spmem:s11], $0x2800  }
0x37: {  	_ =	swait.ge [sflag:s12], $0x2800  }
0x38: {  	[sflag:s12] =	ssyncset.done $0x0  }
0x39: {  	[sflag:s12] =	ssyncadd.s32 $0xFFFFD800  }
0x3a: {  	_ =	sfence.sel $0x180000  }
0x3b: {  	[bflag:$0x0] =	sbarrier.arrive $0xFFFF  }
0x3c: {  	p0 =	sne.s32 s0, $0x0;
	_ =	strace $0x9000004D  }
0x3d: {  	s0 =	sadd.s32 @!p0 $0x100000, s2;
	[bflag:$0x2] =	sbarrier.arrive $0xFFFF  }
0x3e: {  	[sflag:s0] =	ssyncadd.tile.s32 @!p0 $0x1;
	_ =	shalt  }
.Lfunc_end2:
_tile_overlayer_lowered:
.L_overlay_start_2:
0x3f: {  	(tag) =	ssettag $0x2  }
0x40: {  	s0 =	rddreg [dreg:$0x0];
	s2 =	stileid.u32  }
0x41: {  	s1 =	rddreg [dreg:$0x1];
	p0 =	sne.s32 s2, $0x0  }
0x42: {  	s3 =	rddreg [dreg:$0x2];
	[bflag:$0x3] =	sbarrier.arrive $0xFFFF;
	s2 =	simm.s32 @!p0 $0x1C02  }
0x43: {  	[timem:s3], [sflag:s2] =	dma.local @!p0 [hbm:s0], s1  }
0x44: {  	s0 =	simm.s32 @!p0 $0x2  }
0x45: {  	_ =	swait.ge @!p0 [sflag:s0], s1  }
0x46: {  	s1 =	ssub.s32 @!p0 $0x0, s1;
	[sflag:s0] =	ssyncset.done @!p0 $0x0  }
0x47: {  	[sflag:s0] =	ssyncadd.s32 @!p0 s1  }
0x48: {  	[bflag:$0x3] =	sbarrier.arrive $0xFFFF  }
0x49: {  	_ =	shalt  }

// kernel: kernel.9.cloned.1.call-start
scs
__scs_entry_jumppad:
0x0: {  	(pc) =	sbr.rel $0x88, $3  }
0x1: {  	(tag) =	ssettag $0x0;
	lr =	simm.s32 $0x1  }
0x2: {  	[smem:$0x3F9B] =	sst lr;
	_ =	strace $0xD0000000  }
0x3: {  	_ = 	snop  }
0x4: {  	_ = 	snop  }
0x5: {  	_ = 	snop  }
0x6: {  	_ = 	snop  }
0x7: {  	_ = 	snop  }
__scs_overlays_trampoline_lowered:
0x8: {  	[smem:$0x3FAA] =	sst s0  }
0x9: {  	[smem:$0x3FAB] =	sst s1  }
0xa: {  	[smem:$0x3FAC] =	sst s2  }
0xb: {  	[smem:$0x3FAD] =	sst s3  }
0xc: {  	[smem:$0x3FAE] =	sst s4  }
0xd: {  	[smem:$0x3FAF] =	sst s5  }
0xe: {  	[smem:$0x3FB0] =	sst s6  }
0xf: {  	[smem:$0x3FB1] =	sst s7  }
0x10: {  	[smem:$0x3FB2] =	sst s8  }
0x11: {  	[smem:$0x3FB3] =	sst s9;
	s0 =	simm.s32 @!p0 $0x0  }
0x12: {  	s1 =	sld [smem:$0x3F99];
	s0 =	simm.s32 @p0 $0x1  }
0x13: {  	[smem:$0x3FB4] =	sst s0;
	s0 =	simm.s32 @!p1 $0x0  }
0x14: {  	s2 =	sld [smem:$0x3F98];
	s0 =	simm.s32 @p1 $0x1  }
0x15: {  	[smem:$0x3FB5] =	sst s0;
	s0 =	simm.s32 @!p2 $0x0  }
0x16: {  	s3 =	sld [smem:$0x3FDB];
	s0 =	simm.s32 @p2 $0x1  }
0x17: {  	s4 =	simm.s32 $0x1BF5;
	[smem:$0x3FB7] =	sst s0  }
0x18: {  	s0 =	sld [smem:$0x3F9A];
	_ =	swait.ge [sflag:s4], $0x0  }
0x19: {  	s7 =	sld [smem:$0x3F9B]  }
0x1a: {  	s8 =	sadd.s32 $0xFFFFE003, lr  }
0x1b: {  	s9 =	sadd.s32 $0xFFFFFEF7, lr;
	s5 =	simm.s32 $0xFFFFFFFF;
	p2 =	slt.u32 s8, $0xFFFFF086  }
0x1c: {  	p1 =	slt.u32 s9, $0xF7A;
	s5 =	simm.s32 @!p2 $0x0  }
0x1d: {  	s5 =	simm.s32 @p1 $0x1;
	p0 =	seq.s32 s7, s2  }
0x1e: {  	s7 =	smul.u32 @!p0 $0xF7A, s2;
	p2 =	seq.s32 @!p0 s5, $0x0  }
0x1f: {  	s9 =	smul.u32 $0xF7A, s1;
	s8 =	simm.s32 @!p0 $0x1BF5;
	p2 =	por !p2, p0  }
0x20: {  	[sflag:s8] =	ssyncset.s32 @!p0 $0xFFFFF086;
	s6 =	sadd.s32 @!p0 s3, s7;
	s7 =	simm.s32 @!p0 $0x108  }
0x21: {  	s3 =	sadd.s32 s3, s9;
	s6 =	sadd.s32 @!p0 $0x88, s6;
	s7 =	simm.s32 @p2 $0x1082  }
0x22: {  	[simem:s7], [sflag:s8] =	dma.local @!p0 [hbm:s6], $0xF7A  }
0x23: {  	s9 =	sor.u32 $0xD0000000, s2;
	s6 =	simm.s32 $0x108;
	_ =	swait.ge @!p0 [sflag:s8], $0x0  }
0x24: {  	s3 =	sadd.s32 $0x88, s3;
	s6 =	simm.s32 @!p1 $0x1082;
	[sflag:s4] =	ssyncset.s32 $0xFFFFF086  }
0x25: {  	[simem:s6], [sflag:s4] =	dma.local [hbm:s3], $0xF7A  }
0x26: {  	[smem:$0x3F9B] =	sst s1;
	(tag) =	ssettag s2;
	_ =	strace s9  }
0x27: {  	s1 =	sld [smem:$0x3FAB]  }
0x28: {  	s2 =	sld [smem:$0x3FAC]  }
0x29: {  	s4 =	sld [smem:$0x3FAE]  }
0x2a: {  	p0 =	seq.s32 s5, $0x0;
	s5 =	sld [smem:$0x3FAF]  }
0x2b: {  	s6 =	sld [smem:$0x3FB0]  }
0x2c: {  	s7 =	sld [smem:$0x3FB1]  }
0x2d: {  	s3 =	simm.s32 $0x108;
	s8 =	sld [smem:$0x3FB2]  }
0x2e: {  	s3 =	simm.s32 @!p0 $0x1082;
	s9 =	sld [smem:$0x3FB3]  }
0x2f: {  	lr =	sadd.s32 s0, s3;
	s0 =	sld [smem:$0x3FAA]  }
0x30: {  	s3 =	sld [smem:$0x3FAD]  }
0x31: {  	[smem:$0x3FB6] =	sst s10  }
0x32: {  	s10 =	sld [smem:$0x3FB4];
	_ =	sdelay $0x3  }
0x33: {  	p0 =	seq.s32 s10, $0x1;
	s10 =	sld [smem:$0x3FB6];
	_ =	sdelay $0x3  }
0x34: {  	[smem:$0x3FB6] =	sst s10  }
0x35: {  	s10 =	sld [smem:$0x3FB5];
	_ =	sdelay $0x3  }
0x36: {  	p1 =	seq.s32 s10, $0x1;
	s10 =	sld [smem:$0x3FB6];
	_ =	sdelay $0x3  }
0x37: {  	[smem:$0x3FB6] =	sst s10  }
0x38: {  	s10 =	sld [smem:$0x3FB7]  }
0x39: {  	_ = 	snop;
	(pc) =	sbr.ind lr, $3  }
0x3a: {  	_ = 	snop  }
0x3b: {  	_ = 	snop  }
0x3c: {  	p2 =	seq.s32 s10, $0x1;
	s10 =	sld [smem:$0x3FB6]  }
0x3d: {  	_ =	shalt  }
0x3e: {  	_ =	shalt  }
0x3f: {  	_ =	shalt  }
0x40: {  	_ =	shalt  }
0x41: {  	_ =	shalt  }
0x42: {  	_ =	shalt  }
0x43: {  	_ =	shalt  }
0x44: {  	_ =	shalt  }
0x45: {  	_ =	shalt  }
0x46: {  	_ =	shalt  }
0x47: {  	_ =	shalt  }
0x48: {  	_ =	shalt  }
0x49: {  	_ =	shalt  }
0x4a: {  	_ =	shalt  }
0x4b: {  	_ =	shalt  }
0x4c: {  	_ =	shalt  }
0x4d: {  	_ =	shalt  }
0x4e: {  	_ =	shalt  }
0x4f: {  	_ =	shalt  }
0x50: {  	_ =	shalt  }
0x51: {  	_ =	shalt  }
0x52: {  	_ =	shalt  }
0x53: {  	_ =	shalt  }
0x54: {  	_ =	shalt  }
0x55: {  	_ =	shalt  }
0x56: {  	_ =	shalt  }
0x57: {  	_ =	shalt  }
0x58: {  	_ =	shalt  }
0x59: {  	_ =	shalt  }
0x5a: {  	_ =	shalt  }
0x5b: {  	_ =	shalt  }
0x5c: {  	_ =	shalt  }
0x5d: {  	_ =	shalt  }
0x5e: {  	_ =	shalt  }
0x5f: {  	_ =	shalt  }
0x60: {  	_ =	shalt  }
0x61: {  	_ =	shalt  }
0x62: {  	_ =	shalt  }
0x63: {  	_ =	shalt  }
0x64: {  	_ =	shalt  }
0x65: {  	_ =	shalt  }
0x66: {  	_ =	shalt  }
0x67: {  	_ =	shalt  }
0x68: {  	_ =	shalt  }
0x69: {  	_ =	shalt  }
0x6a: {  	_ =	shalt  }
0x6b: {  	_ =	shalt  }
0x6c: {  	_ =	shalt  }
0x6d: {  	_ =	shalt  }
0x6e: {  	_ =	shalt  }
0x6f: {  	_ =	shalt  }
0x70: {  	_ =	shalt  }
0x71: {  	_ =	shalt  }
0x72: {  	_ =	shalt  }
0x73: {  	_ =	shalt  }
0x74: {  	_ =	shalt  }
0x75: {  	_ =	shalt  }
0x76: {  	_ =	shalt  }
0x77: {  	_ =	shalt  }
0x78: {  	_ =	shalt  }
0x79: {  	_ =	shalt  }
0x7a: {  	_ =	shalt  }
0x7b: {  	_ =	shalt  }
0x7c: {  	_ =	shalt  }
0x7d: {  	_ =	shalt  }
0x7e: {  	_ =	shalt  }
0x7f: {  	_ =	shalt  }
0x80: {  	_ =	shalt  }
0x81: {  	_ =	shalt  }
0x82: {  	_ =	shalt  }
0x83: {  	_ =	shalt  }
0x84: {  	_ =	shalt  }
0x85: {  	_ =	shalt  }
0x86: {  	_ =	shalt  }
0x87: {  	_ =	shalt  }
.Lfunc_end0:
.L_simem_size_0:
called_computation_lowered:
.L_overlay_start_0:
0x88: {  	s2 =	sld [smem:$0x3FD9]  }
0x89: {  	s3 =	sld [smem:$0x3FFE];
	_ =	sdelay $0x1  }
0x8a: {  	s1 =	srdreg.scid  }
0x8b: {  	s0 =	sand.u32 $0x1, s1  }
0x8c: {  	s17 =	sshll.u32 s0, $0xA;
	s2 =	sadd.s32 s3, s2  }
0x8d: {  	s2 =	sadd.s32 s2, s17  }
0x8e: {  	[smem:$0x3FC2] =	sst s2  }
0x8f: {  	_ = 	snop  }
0x90: {  	s2 =	sld [smem:$0x3FD0];
	(tm) =	ssettm $0x1  }
0x91: {  	s18 =	sld [smem:$0x3FFB];
	_ =	sdelay $0x3  }
0x92: {  	_ =	strace s18  }
0x93: {  	s3 =	sld [smem:$0x3FFC];
	_ =	sdelay $0x3  }
0x94: {  	_ =	strace s3  }
0x95: {  	s3 =	sld [smem:$0x3FFD];
	_ =	sdelay $0x3  }
0x96: {  	_ =	strace s3  }
0x97: {  	_ =	strace $0x8FFFFFFF  }
0x98: {  	s19 =	sld [smem:$0x3FDB];
	_ =	sdelay $0x1  }
0x99: {  	s4 =	simm.s32 $_scs_section_size  }
0x9a: {  	s5 =	simm.s32 $_size__tile_overlayer_lowered;
	s6 =	simm.s32 $_tile_overlayer_lowered  }
0x9b: {  	s22 =	simm.s32 $0x1BFF;
	s21 =	sshll.u32 s6, $0x1;
	s3 =	sadd.s32 s4, s19  }
0x9c: {  	s7 =	simm.s32 $0x0;
	s20 =	sshll.u32 s5, $0x1;
	s5 =	sadd.s32 s21, s3  }
0x9d: {  	[timem:s7], [sflag:s22] =	dma.local [hbm:s5], s20  }
0x9e: {  	_ =	swait.ge [sflag:s22], s20  }
0x9f: {  	s4 =	ssub.s32 $0x0, s20;
	[sflag:s22] =	ssyncset.done $0x0  }
0xa0: {  	[sflag:s22] =	ssyncadd.s32 s4;
	_ =	sdelay $0x1  }
0xa1: {  	s23 =	simm.s32 $0x1B8B  }
0xa2: {  	_ =	swait.ge [sflag:s23], $0x1  }
0xa3: {  	[sflag:s23] =	ssyncset.done $0x0  }
0xa4: {  	s25 =	simm.s32 $0x1B8E;
	s24 =	sld [smem:$0x3FFE];
	[sflag:s23] =	ssyncadd.s32 $0xFFFFFFFF  }
0xa5: {  	s26 =	simm.s32 $execute0_lowered;
	[smem:$0x3FD2] =	sst s25  }
0xa6: {  	s5 =	sshll.u32 s26, $0x1;
	_ =	strace $0x80000046;
	[dreg:$0x1] =	wrdreg $0xFFFFFFFF  }
0xa7: {  	s28 =	simm.s32 $_size_execute0_lowered;
	s3 =	sadd.s32 s3, s5;
	[dreg:$0x0] =	wrdreg $0x0  }
0xa8: {  	s5 =	sshll.u32 s28, $0x1;
	[dreg:$0x2] =	wrdreg s3  }
0xa9: {  	[dreg:$0x3] =	wrdreg s5  }
0xaa: {  	[dreg:$0x4] =	wrdreg $0xC0  }
0xab: {  	_ =	task [dreg:s7], $0x5FFFF  }
0xac: {  	[dreg:$0x1] =	wrdreg $0xFFFFFFFF  }
0xad: {  	[dreg:$0x0] =	wrdreg $0x60  }
0xae: {  	[dreg:$0x2] =	wrdreg s24  }
0xaf: {  	[dreg:$0x3] =	wrdreg s2  }
0xb0: {  	[dreg:$0x4] =	wrdreg $0x9  }
0xb1: {  	_ =	task.clear_ibuf [dreg:s7], $0x5FFFF;
	_ =	strace $0x90000046  }
0xb2: {  	s29 =	simm.s32 $0x9;
	_ =	strace $0x80000048  }
0xb3: {  	_ =	swait.ge [sflag:s29], $0x1  }
0xb4: {  	[sflag:s29] =	ssyncadd.s32 $0xFFFFFFFF  }
0xb5: {  	_ =	strace $0x90000048  }
0xb6: {  	_ =	sfence  }
0xb7: {  	s30 =	sld [smem:$0x0];
	_ =	sdelay $0x2  }
0xb8: {  	s31 =	sshll.u32 s1, $0xD;
	s1 =	sshrl.u32 s1, $0x2  }
0xb9: {  	s3 =	sand.u32 $0x4000, s31;
	s1 =	sadd.s32 s1, s30  }
0xba: {  	s0 =	sor.u32 s3, s0;
	s1 =	sshll.u32 s1, $0x11  }
0xbb: {  	s0 =	sor.u32 s1, s0  }
0xbc: {  	s0 =	sadd.s32 $0x8F2B, s0  }
0xbd: {  	[sflag:s0] =	ssyncadd.remote.s32 $0x1  }
0xbe: {  	_ =	sfence.sel $0xFFFF  }
0xbf: {  	[dreg:$0x0] =	wrdreg $0xFFFFFFFF;
	(pc) =	sbr.abs _section_cstart, $3  }
0xc0: {  	[dreg:$0x1] =	wrdreg $0xFFFFFFFF  }
0xc1: {  	_ =	task.clear_ibuf [dreg:s7], $0x2FFFF;
	_ =	strace $0x9FFFFFFF  }
0xc2: {  	(tm) =	ssettm $0x7FFFFFFF  }
0xc3: {  	_ =	shalt  }
tec
execute0_lowered:
.L_overlay_start_1:
0x0: {  	(tag) =	ssettag $0x1  }
0x1: {  	s1 =	srdreg.scid;
	s0 =	stileid.u32  }
0x2: {  	s3 =	rddreg [dreg:$0x0];
	s4 =	sand.u32 $0x1, s1;
	s6 =	sshll.u32 s0, $0x1  }
0x3: {  	s5 =	rddreg [dreg:$0x1];
	s2 =	simm.s32 $0x0;
	s6 =	sor.u32 s4, s6  }
0x4: {  	s1 =	rddreg [dreg:$0x2];
	s4 =	ssub.s32 $0x2, s4;
	s6 =	smul.u32 $0x500, s6  }
0x5: {  	s9 =	simm.s32 $0x0;
	[smem:$0x7FF] =	sst s2;
	s7 =	sshrl.u32 s4, $0x1  }
0x6: {  	_ =	strace $0x80000047;
	s7 =	ssub.s32 s4, s7;
	s8 =	sadd.s32 s6, s3  }
0x7: {  	s3 =	sadd.s32 $0x16200, s3;
	s5 =	sadd.s32 s5, s6;
	s6 =	smax.u32 s7, $0x1  }
0x8: {  	v0 =	vimm.f32 $1.000000000e+00;
	s7 =	simm.s32 $0x1;
	s4 =	sadd.s32 $0xC200, s8;
	s8 =	simm.s32 $0x2800  }
.LBB2_1:
0x9: {  	[tilespmem:s2], [sflag:$0x1] =	stream.linear.gather [hbm4b:s3+s2], $0x2800, $0x38;
	[tilespmem:$0x5000] =	vst v63  }
0xa: {  	_ =	swait.ge [sflag:s7], $0x2800  }
0xb: {  	[sflag:s7] =	ssyncset.done $0x0  }
0xc: {  	[sflag:s7] =	ssyncadd.s32 $0xFFFFD800  }
0xd: {  	[tilespmem:s8], [sflag:$0x1] =	stream.linear.gather [hbm4b:s4+s2], $0x2800, $0x38;
	[tilespmem:$0x5000] =	vst v63  }
0xe: {  	_ =	swait.ge [sflag:s7], $0x2800  }
0xf: {  	[sflag:s7] =	ssyncset.done $0x0  }
0x10: {  	s10 =	simm.s32 $0x0;
	[sflag:s7] =	ssyncadd.s32 $0xFFFFD800  }
.LBB2_2:
0x11: {  	s11 =	sshra.s32 s10, $0x2  }
0x12: {  	v1 =	vld [tilespmem:s11+$0x2800];
	_ =	sdelay $0x7  }
0x13: {  	[tilespmem:v1+s2+$0x0] =	vst.idx.add.f32.msk $0xffff, v0  }
0x14: {  	v1 =	vld [tilespmem:s11+$0x2810];
	_ =	sdelay $0x7  }
0x15: {  	[tilespmem:v1+s2+$0x0] =	vst.idx.add.f32.msk $0xffff, v0  }
0x16: {  	v1 =	vld [tilespmem:s11+$0x2820];
	_ =	sdelay $0x7  }
0x17: {  	[tilespmem:v1+s2+$0x0] =	vst.idx.add.f32.msk $0xffff, v0  }
0x18: {  	v1 =	vld [tilespmem:s11+$0x2830];
	_ =	sdelay $0x7  }
0x19: {  	[tilespmem:v1+s2+$0x0] =	vst.idx.add.f32.msk $0xffff, v0  }
0x1a: {  	v1 =	vld [tilespmem:s11+$0x2840];
	_ =	sdelay $0x7  }
0x1b: {  	[tilespmem:v1+s2+$0x0] =	vst.idx.add.f32.msk $0xffff, v0  }
0x1c: {  	v1 =	vld [tilespmem:s11+$0x2850];
	_ =	sdelay $0x7  }
0x1d: {  	[tilespmem:v1+s2+$0x0] =	vst.idx.add.f32.msk $0xffff, v0  }
0x1e: {  	v1 =	vld [tilespmem:s11+$0x2860];
	_ =	sdelay $0x7  }
0x1f: {  	[tilespmem:v1+s2+$0x0] =	vst.idx.add.f32.msk $0xffff, v0  }
0x20: {  	v1 =	vld [tilespmem:s11+$0x2870];
	_ =	sdelay $0x2  }
0x21: {  	p0 =	sne.s32 s10, $0x9E00  }
.Ltmp0:
0x22: {  	_ = 	snop;
	(pc) =	sbr.rel @p0 .LBB2_2-.Ltmp0, $2  }
0x23: {  	_ =	sdelay $0x2  }
0x24: {  	s10 =	sadd.s32 $0x200, s10;
	[tilespmem:v1+s2+$0x0] =	vst.idx.add.f32.msk $0xffff, v0  }
0x25: {  	s9 =	sadd.s32 $0x1, s9  }
0x26: {  	p0 =	sne.s32 s9, s6  }
.Ltmp1:
0x27: {  	_ = 	snop;
	(pc) =	sbr.rel @p0 .LBB2_1-.Ltmp1, $4  }
0x28: {  	[hbm4b:s5+s2] =	stream.linear.scatter [tilespmem:s2], [sflag:$0x1], $0x2800, $0x38;
	[tilespmem:$0x5000] =	vst v63  }
0x29: {  	_ =	swait.ge [sflag:s7], $0x2800  }
0x2a: {  	[sflag:s7] =	ssyncset.done $0x0  }
0x2b: {  	[sflag:s7] =	ssyncadd.s32 $0xFFFFD800  }
0x2c: {  	_ =	sfence.sel $0x180000  }
0x2d: {  	[bflag:$0x0] =	sbarrier.arrive $0xFFFF  }
0x2e: {  	p0 =	sne.s32 s0, $0x0;
	_ =	strace $0x90000047  }
0x2f: {  	s0 =	sadd.s32 @!p0 $0x100000, s1;
	[bflag:$0x2] =	sbarrier.arrive $0xFFFF  }
0x30: {  	[sflag:s0] =	ssyncadd.tile.s32 @!p0 $0x1;
	_ =	shalt  }
.Lfunc_end2:
_tile_overlayer_lowered:
.L_overlay_start_2:
0x31: {  	(tag) =	ssettag $0x2  }
0x32: {  	s0 =	rddreg [dreg:$0x0];
	s2 =	stileid.u32  }
0x33: {  	s1 =	rddreg [dreg:$0x1];
	p0 =	sne.s32 s2, $0x0  }
0x34: {  	s3 =	rddreg [dreg:$0x2];
	[bflag:$0x3] =	sbarrier.arrive $0xFFFF;
	s2 =	simm.s32 @!p0 $0x1C01  }
0x35: {  	[timem:s3], [sflag:s2] =	dma.local @!p0 [hbm:s0], s1  }
0x36: {  	s0 =	simm.s32 @!p0 $0x1  }
0x37: {  	_ =	swait.ge @!p0 [sflag:s0], s1  }
0x38: {  	s1 =	ssub.s32 @!p0 $0x0, s1;
	[sflag:s0] =	ssyncset.done @!p0 $0x0  }
0x39: {  	[sflag:s0] =	ssyncadd.s32 @!p0 s1  }
0x3a: {  	[bflag:$0x3] =	sbarrier.arrive $0xFFFF  }
0x3b: {  	_ =	shalt  }

</sc_bundles>
